<compile_context>
chip_gen: v7x
topology: tpu7x:2x2x1
jax: 0.10.2.dev20260603
libtpu: 0.0.44.dev20260713+nightly
codegen_flags: <defaults>
</compile_context>

<pallas_src>
import functools

import jax
import jax.numpy as jnp
from jax import lax
from jax.experimental import pallas as pl
from jax.experimental.pallas import tpu as pltpu
from jax.experimental.pallas import tpu_sc as plsc

N = 10000
E = 320000
D = 128
NC = 2
NS = 16
NW = NC * NS
K = 128
CPT = 80
E_PAD = NW * CPT * K
ROWS2D = E_PAD // K
DUMMY = N
NT = 10240
RPT = NT // NS
BM = 1024

_mesh = plsc.VectorSubcoreMesh(core_axis_name="c", subcore_axis_name="s")


@functools.partial(
    pl.kernel,
    out_type=jax.ShapeDtypeStruct((NC, NT, 8), jnp.float32),
    mesh=_mesh,
    scratch_types=[
        pltpu.VMEM((CPT, K), jnp.int32),
        pltpu.VMEM((K, 8), jnp.float32),
        pltpu.VMEM_SHARED((NT, 8), jnp.float32),
        pltpu.SemaphoreType.DMA,
    ],
)
def _deg_kernel(dst_hbm, ones_hbm, out_hbm, dst_v, ones_v, acc_sh, sem):
    c = lax.axis_index("c")
    s = lax.axis_index("s")
    wid = c * NS + s
    pltpu.sync_copy(dst_hbm.at[pl.ds(wid * CPT, CPT)], dst_v)
    pltpu.sync_copy(ones_hbm.at[pl.ds(0, K)], ones_v)
    pltpu.sync_copy(ones_hbm.at[pl.ds(s * RPT, RPT)],
                    acc_sh.at[pl.ds(s * RPT, RPT)])
    plsc.subcore_barrier()

    def body(j, carry):
        pltpu.sync_copy(ones_v, acc_sh.at[dst_v.at[j]], add=True)
        return carry

    lax.fori_loop(0, CPT, body, 0)
    fidx = lax.iota(jnp.int32, 16) + (NT - 16)
    pltpu.sync_copy(ones_v.at[pl.ds(0, 16)], acc_sh.at[fidx], add=True)
    plsc.subcore_barrier()
    pl.delay(2000)
    pltpu.sync_copy(acc_sh.at[pl.ds(s * RPT, RPT)],
                    out_hbm.at[c, pl.ds(s * RPT, RPT)])


GRP = 16
NGRP = CPT // GRP


@functools.partial(
    pl.kernel,
    out_type=jax.ShapeDtypeStruct((NC, NT, D), jnp.float32),
    mesh=_mesh,
    scratch_types=[
        pltpu.VMEM((GRP, K), jnp.int32),
        pltpu.VMEM((GRP, K), jnp.int32),
        pltpu.VMEM((K, D), jnp.float32),
        pltpu.VMEM((K, D), jnp.float32),
        pltpu.VMEM_SHARED((NT, D), jnp.float32),
        pltpu.SemaphoreType.DMA,
        pltpu.SemaphoreType.DMA,
    ],
)
def _agg_kernel(u_hbm, src_hbm, dst_hbm, out_hbm,
                src_v, dst_v, buf0, buf1, acc_sh, sem0, sem1):
    c = lax.axis_index("c")
    s = lax.axis_index("s")
    wid = c * NS + s
    pltpu.sync_copy(u_hbm.at[pl.ds(s * RPT, RPT)],
                    acc_sh.at[pl.ds(s * RPT, RPT)])
    plsc.subcore_barrier()

    def group(grp, carry):
        g0 = wid * CPT + grp * GRP
        pltpu.sync_copy(src_hbm.at[pl.ds(g0, GRP)], src_v)
        pltpu.sync_copy(dst_hbm.at[pl.ds(g0, GRP)], dst_v)
        pltpu.async_copy(u_hbm.at[src_v.at[0]], buf0, sem0)

        def body(p, carry2):
            j0 = 2 * p
            j1 = j0 + 1
            pltpu.async_copy(u_hbm.at[src_v.at[j1]], buf1, sem1)
            pltpu.make_async_copy(u_hbm.at[src_v.at[j0]], buf0, sem0).wait()
            pltpu.sync_copy(buf0, acc_sh.at[dst_v.at[j0]], add=True)

            @pl.when(p < GRP // 2 - 1)
            def _():
                pltpu.async_copy(u_hbm.at[src_v.at[j0 + 2]], buf0, sem0)

            pltpu.make_async_copy(u_hbm.at[src_v.at[j1]], buf1, sem1).wait()
            pltpu.sync_copy(buf1, acc_sh.at[dst_v.at[j1]], add=True)
            return carry2

        lax.fori_loop(0, GRP // 2, body, 0)
        return carry

    lax.fori_loop(0, NGRP, group, 0)
    fidx = lax.iota(jnp.int32, 16) + (NT - 16)
    pltpu.sync_copy(buf0.at[pl.ds(0, 16)], acc_sh.at[fidx], add=True)
    plsc.subcore_barrier()
    pl.delay(2000)
    pltpu.sync_copy(acc_sh.at[pl.ds(s * RPT, RPT)],
                    out_hbm.at[c, pl.ds(s * RPT, RPT)])


def _mm_body(x_ref, w_ref, p_ref):
    p_ref[...] = jnp.dot(x_ref[...], w_ref[...],
                         preferred_element_type=jnp.float32)


def _u1_body(p_ref, d0_ref, d1_ref, u_ref):
    g = lax.rsqrt(d0_ref[...] + d1_ref[...] - 1.0)[:, 0:1]
    u_ref[...] = p_ref[...] * g


def _fused_body(s0_ref, s1_ref, u_ref, d0_ref, d1_ref, b_ref, w_ref,
                h_ref, un_ref):
    g = lax.rsqrt(d0_ref[...] + d1_ref[...] - 1.0)[:, 0:1]
    h = jnp.maximum(
        g * (s0_ref[...] + s1_ref[...] - u_ref[...]) + b_ref[...], 0.0)
    h_ref[...] = h
    un_ref[...] = g * jnp.dot(h, w_ref[...],
                              preferred_element_type=jnp.float32)


def _row_spec(cols):
    return pl.BlockSpec((BM, cols), lambda i: (i, 0))


def _full_spec(rows, cols):
    return pl.BlockSpec((rows, cols), lambda i: (0, 0))


def kernel(x, edge_index, W1, b1, W2, b2):
    src = edge_index[0].astype(jnp.int32)
    dst = edge_index[1].astype(jnp.int32)
    pad = E_PAD - E
    spread = jnp.arange(pad, dtype=jnp.int32) % K
    src2d = jnp.concatenate([src, spread]).reshape(ROWS2D, K)
    dst2d = jnp.concatenate([dst, DUMMY + spread]).reshape(ROWS2D, K)
    ones_rows = jnp.ones((NT, 8), jnp.float32)
    xp = jnp.concatenate([x, jnp.zeros((NT - N, D), jnp.float32)])
    Wn = jnp.stack([W2, jnp.eye(D, dtype=jnp.float32)])
    bs = jnp.stack([b1, b2]).reshape(2, 1, D)

    grid = (NT // BM,)
    p1 = pl.pallas_call(
        _mm_body,
        grid=grid,
        in_specs=[_row_spec(D), _full_spec(D, D)],
        out_specs=_row_spec(D),
        out_shape=jax.ShapeDtypeStruct((NT, D), jnp.float32),
    )(xp, W1)
    degp = _deg_kernel(dst2d, ones_rows)
    u1 = pl.pallas_call(
        _u1_body,
        grid=grid,
        in_specs=[_row_spec(D), _row_spec(8), _row_spec(8)],
        out_specs=_row_spec(D),
        out_shape=jax.ShapeDtypeStruct((NT, D), jnp.float32),
    )(p1, degp[0], degp[1])

    fused_call = pl.pallas_call(
        _fused_body,
        grid=grid,
        in_specs=[_row_spec(D), _row_spec(D), _row_spec(D), _row_spec(8),
                  _row_spec(8), _full_spec(1, D), _full_spec(D, D)],
        out_specs=(_row_spec(D), _row_spec(D)),
        out_shape=(jax.ShapeDtypeStruct((NT, D), jnp.float32),
                   jax.ShapeDtypeStruct((NT, D), jnp.float32)),
    )

    def layer(u, wb):
        W, b = wb
        s = _agg_kernel(u, src2d, dst2d)
        h, u_next = fused_call(s[0], s[1], u, degp[0], degp[1], b, W)
        return u_next, h

    _, hs = lax.scan(layer, u1, (Wn, bs))
    return hs[1][:N]

# --- scband reference (transcript-rebuilt; emitter-appended) ---
"""Pipeline reference for scband-gnn-82600811036871 (READ-ONLY COPY).

The authoritative reference and input builder live on the scoring server;
editing this copy changes nothing except your own understanding.
"""

import jax, jax.numpy as jnp
import numpy as np

N_NODES = 10000
N_EDGES = 320000
D = 128

def setup_inputs(seed: int = 0) -> dict:
    key = jax.random.key(seed)
    k1, k2, k3, k4, k5, k6 = jax.random.split(key, 6)
    x = jax.random.normal(k1, (N_NODES, D), dtype=jnp.float32)
    edge_index = jax.random.randint(k2, (2, N_EDGES), 0, N_NODES, dtype=jnp.int64)
    scale = 1.0 / np.sqrt(D)
    W1 = jax.random.normal(k3, (D, D), dtype=jnp.float32) * scale
    b1 = jnp.zeros((D,), dtype=jnp.float32)
    W2 = jax.random.normal(k4, (D, D), dtype=jnp.float32) * scale
    b2 = jnp.zeros((D,), dtype=jnp.float32)
    return {"x": x, "edge_index": edge_index, "W1": W1, "b1": b1, "W2": W2, "b2": b2}


def _gcn_layer(h, src, dst, deg_inv_sqrt, W, b):
    # GCNConv: h' = D^{-1/2} (A + I) D^{-1/2} (h W) + b, self-loops already in src/dst
    h = h @ W
    norm = deg_inv_sqrt[src] * deg_inv_sqrt[dst]
    msg = h[src] * norm[:, None]
    agg = jnp.zeros_like(h).at[dst].add(msg)
    return agg + b


def reference(x, edge_index, W1, b1, W2, b2):
    n = x.shape[0]
    loops = jnp.arange(n, dtype=edge_index.dtype)
    src = jnp.concatenate([edge_index[0], loops])
    dst = jnp.concatenate([edge_index[1], loops])
    deg = jnp.zeros((n,), dtype=x.dtype).at[dst].add(1.0)
    deg_inv_sqrt = jax.lax.rsqrt(deg)
    # layer 1: Dropout(ReLU(GC(x))), dropout p=0.0 -> identity
    h = jax.nn.relu(_gcn_layer(x, src, dst, deg_inv_sqrt, W1, b1))
    # layer 2
    h = jax.nn.relu(_gcn_layer(h, src, dst, deg_inv_sqrt, W2, b2))
    return h

if __name__ == "__main__":
    import jax
    _d = setup_inputs()
    print(jax.jit(kernel)(*tuple(_d.values())))

</pallas_src>

<mosaic_0001>
#map = affine_map<(d0, d1) -> (0, 0)>
#map1 = affine_map<(d0, d1) -> (0, 0, 0)>
module attributes {stable_mosaic.version = 14 : i64} {
  func.func @_deg_kernel(%arg0: i32, %arg1: i32, %arg2: memref<2560x128xi32, #tpu.memory_space<hbm>>, %arg3: memref<10240x8xf32, #tpu.memory_space<hbm>>, %arg4: memref<2x10240x8xf32, #tpu.memory_space<hbm>>, %arg5: memref<80x128xi32, #tpu.memory_space<vmem>>, %arg6: memref<128x8xf32, #tpu.memory_space<vmem>>, %arg7: memref<10240x8xf32, #tpu.memory_space<vmem_shared>>, %arg8: memref<!tpu.dma_semaphore, #tpu.memory_space<semaphore_mem>>) attributes {dimension_semantics = [#tpu.dimension_semantics<core_parallel>, #tpu.dimension_semantics<subcore_parallel>], iteration_bounds = array<i64: 2, 16>, scalar_prefetch = 0 : i64, scratch_operands = 4 : i64, tpu.core_type = #tpu.core_type<sc_vector_subcore>, window_params = [{transform_indices = #map}, {transform_indices = #map}, {transform_indices = #map1}]} {
    %mul3A = arith.constant 16 : i32
    %mul3A_0 = arith.muli %arg0, %mul3A : i32
    %add3A = arith.addi %mul3A_0, %arg1 : i32
    %mul3A_1 = arith.constant 80 : i32
    %mul3A_2 = arith.muli %add3A, %mul3A_1 : i32
    "tpu.region"() ({
      %run_scoped3A = tpu.sem_alloc : memref<!tpu.dma_semaphore, #tpu.memory_space<semaphore_mem>>
      %dma_start3A = arith.constant 0 : i32
      %dma_start3A_20 = tpu.memref_slice %arg2[%mul3A_2, %dma_start3A] : memref<2560x128xi32, #tpu.memory_space<hbm>> -> memref<80x128xi32, #tpu.memory_space<hbm>>
      %dma_start3A_21 = arith.constant 0 : i32
      %dma_start3A_22 = tpu.memref_slice %arg2[%mul3A_2, %dma_start3A_21] : memref<2560x128xi32, #tpu.memory_space<hbm>> -> memref<80x128xi32, #tpu.memory_space<hbm>>
      tpu.enqueue_dma source(%dma_start3A_22 : memref<80x128xi32, #tpu.memory_space<hbm>>) target(%arg5 : memref<80x128xi32, #tpu.memory_space<vmem>>) target_semaphore(%run_scoped3A : memref<!tpu.dma_semaphore, #tpu.memory_space<semaphore_mem>>)
      %dma_wait3A = arith.constant 0 : i32
      %dma_wait3A_23 = tpu.memref_slice %arg2[%mul3A_2, %dma_wait3A] : memref<2560x128xi32, #tpu.memory_space<hbm>> -> memref<80x128xi32, #tpu.memory_space<hbm>>
      %dma_wait3A_24 = arith.constant 0 : i32
      %dma_wait3A_25 = tpu.memref_slice %arg2[%mul3A_2, %dma_wait3A_24] : memref<2560x128xi32, #tpu.memory_space<hbm>> -> memref<80x128xi32, #tpu.memory_space<hbm>>
      tpu.wait_dma2 semaphore(%run_scoped3A : memref<!tpu.dma_semaphore, #tpu.memory_space<semaphore_mem>>) src(%dma_wait3A_25 : memref<80x128xi32, #tpu.memory_space<hbm>>) dst(%arg5 : memref<80x128xi32, #tpu.memory_space<vmem>>)
      tpu.yield
    }) : () -> ()
    "tpu.region"() ({
      %run_scoped3A = tpu.sem_alloc : memref<!tpu.dma_semaphore, #tpu.memory_space<semaphore_mem>>
      %dma_start3A = arith.constant 0 : i32
      %dma_start3A_20 = arith.constant 0 : i32
      %dma_start3A_21 = tpu.memref_slice %arg3[%dma_start3A, %dma_start3A_20] : memref<10240x8xf32, #tpu.memory_space<hbm>> -> memref<128x8xf32, #tpu.memory_space<hbm>>
      %dma_start3A_22 = arith.constant 0 : i32
      %dma_start3A_23 = arith.constant 0 : i32
      %dma_start3A_24 = tpu.memref_slice %arg3[%dma_start3A_22, %dma_start3A_23] : memref<10240x8xf32, #tpu.memory_space<hbm>> -> memref<128x8xf32, #tpu.memory_space<hbm>>
      tpu.enqueue_dma source(%dma_start3A_24 : memref<128x8xf32, #tpu.memory_space<hbm>>) target(%arg6 : memref<128x8xf32, #tpu.memory_space<vmem>>) target_semaphore(%run_scoped3A : memref<!tpu.dma_semaphore, #tpu.memory_space<semaphore_mem>>)
      %dma_wait3A = arith.constant 0 : i32
      %dma_wait3A_25 = arith.constant 0 : i32
      %dma_wait3A_26 = tpu.memref_slice %arg3[%dma_wait3A, %dma_wait3A_25] : memref<10240x8xf32, #tpu.memory_space<hbm>> -> memref<128x8xf32, #tpu.memory_space<hbm>>
      %dma_wait3A_27 = arith.constant 0 : i32
      %dma_wait3A_28 = arith.constant 0 : i32
      %dma_wait3A_29 = tpu.memref_slice %arg3[%dma_wait3A_27, %dma_wait3A_28] : memref<10240x8xf32, #tpu.memory_space<hbm>> -> memref<128x8xf32, #tpu.memory_space<hbm>>
      tpu.wait_dma2 semaphore(%run_scoped3A : memref<!tpu.dma_semaphore, #tpu.memory_space<semaphore_mem>>) src(%dma_wait3A_29 : memref<128x8xf32, #tpu.memory_space<hbm>>) dst(%arg6 : memref<128x8xf32, #tpu.memory_space<vmem>>)
      tpu.yield
    }) : () -> ()
    %mul3A_3 = arith.constant 640 : i32
    %mul3A_4 = arith.muli %arg1, %mul3A_3 : i32
    %mul3A_5 = arith.constant 640 : i32
    %mul3A_6 = arith.muli %arg1, %mul3A_5 : i32
    "tpu.region"() ({
      %run_scoped3A = tpu.sem_alloc : memref<!tpu.dma_semaphore, #tpu.memory_space<semaphore_mem>>
      %dma_start3A = arith.constant 0 : i32
      %dma_start3A_20 = tpu.memref_slice %arg7[%mul3A_6, %dma_start3A] : memref<10240x8xf32, #tpu.memory_space<vmem_shared>> -> memref<640x8xf32, #tpu.memory_space<vmem_shared>>
      %dma_start3A_21 = arith.constant 0 : i32
      %dma_start3A_22 = tpu.memref_slice %arg3[%mul3A_4, %dma_start3A_21] : memref<10240x8xf32, #tpu.memory_space<hbm>> -> memref<640x8xf32, #tpu.memory_space<hbm>>
      tpu.enqueue_dma source(%dma_start3A_22 : memref<640x8xf32, #tpu.memory_space<hbm>>) target(%dma_start3A_20 : memref<640x8xf32, #tpu.memory_space<vmem_shared>>) target_semaphore(%run_scoped3A : memref<!tpu.dma_semaphore, #tpu.memory_space<semaphore_mem>>)
      %dma_wait3A = arith.constant 0 : i32
      %dma_wait3A_23 = tpu.memref_slice %arg7[%mul3A_6, %dma_wait3A] : memref<10240x8xf32, #tpu.memory_space<vmem_shared>> -> memref<640x8xf32, #tpu.memory_space<vmem_shared>>
      %dma_wait3A_24 = arith.constant 0 : i32
      %dma_wait3A_25 = tpu.memref_slice %arg3[%mul3A_4, %dma_wait3A_24] : memref<10240x8xf32, #tpu.memory_space<hbm>> -> memref<640x8xf32, #tpu.memory_space<hbm>>
      tpu.wait_dma2 semaphore(%run_scoped3A : memref<!tpu.dma_semaphore, #tpu.memory_space<semaphore_mem>>) src(%dma_wait3A_25 : memref<640x8xf32, #tpu.memory_space<hbm>>) dst(%dma_wait3A_23 : memref<640x8xf32, #tpu.memory_space<vmem_shared>>)
      tpu.yield
    }) : () -> ()
    %barrier3A = arith.constant 0 : index
    tpu.barrier barrier_id(%barrier3A)
    %scan3A = arith.constant 0 : i32
    %scan3A_7 = arith.constant 0 : i32
    %scan3A_8 = arith.constant 80 : i32
    %scan3A_9 = arith.addi %scan3A_7, %scan3A_8 : i32
    %scan3A_10 = arith.constant 1 : i32
    scf.for %scan3A_20 = %scan3A_7 to %scan3A_9 step %scan3A_10  : i32 {
      "tpu.region"() ({
        %run_scoped3A = tpu.sem_alloc : memref<!tpu.dma_semaphore, #tpu.memory_space<semaphore_mem>>
        %dma_start3A = arith.constant 0 : i32
        %dma_start3A_21 = tpu.memref_slice %arg5[%scan3A_20, %dma_start3A] : memref<80x128xi32, #tpu.memory_space<vmem>> -> memref<1x128xi32, #tpu.memory_space<vmem>>
        %dma_start3A_22 = tpu.memref_squeeze %dma_start3A_21 : memref<1x128xi32, #tpu.memory_space<vmem>> -> memref<128xi32, #tpu.memory_space<vmem>>
        %dma_start3A_23 = arith.constant 0 : i32
        %dma_start3A_24 = arith.constant 0 : i32
        %dma_start3A_25 = tpu.memref_slice %arg7[%dma_start3A_23, %dma_start3A_24] : memref<10240x8xf32, #tpu.memory_space<vmem_shared>> -> memref<10240x8xf32, #tpu.memory_space<vmem_shared>>
        tpu.enqueue_indirect_dma source(%arg6 : memref<128x8xf32, #tpu.memory_space<vmem>>) target(%dma_start3A_25 : memref<10240x8xf32, #tpu.memory_space<vmem_shared>>) offsets(%dma_start3A_22 : memref<128xi32, #tpu.memory_space<vmem>>) semaphore(%run_scoped3A : memref<!tpu.dma_semaphore, #tpu.memory_space<semaphore_mem>>) {add = true}
        %dma_wait3A = arith.constant 0 : i32
        %dma_wait3A_26 = tpu.memref_slice %arg5[%scan3A_20, %dma_wait3A] : memref<80x128xi32, #tpu.memory_space<vmem>> -> memref<1x128xi32, #tpu.memory_space<vmem>>
        %dma_wait3A_27 = tpu.memref_squeeze %dma_wait3A_26 : memref<1x128xi32, #tpu.memory_space<vmem>> -> memref<128xi32, #tpu.memory_space<vmem>>
        %dma_wait3A_28 = arith.constant 0 : i32
        %dma_wait3A_29 = arith.constant 0 : i32
        %dma_wait3A_30 = tpu.memref_slice %arg7[%dma_wait3A_28, %dma_wait3A_29] : memref<10240x8xf32, #tpu.memory_space<vmem_shared>> -> memref<10240x8xf32, #tpu.memory_space<vmem_shared>>
        tpu.wait_indirect_dma semaphore(%run_scoped3A : memref<!tpu.dma_semaphore, #tpu.memory_space<semaphore_mem>>) src(%arg6 : memref<128x8xf32, #tpu.memory_space<vmem>>) dst(%dma_wait3A_30 : memref<10240x8xf32, #tpu.memory_space<vmem_shared>>)
        tpu.yield
      }) : () -> ()
    }
    %scan3A_11 = arith.constant 80 : i32
    %iota3A = tpu.iota {dimensions = array<i32: 0>} : vector<16xi32>
    %add3A_12 = arith.constant 10224 : i32
    %add3A_13 = vector.broadcast %add3A_12 : i32 to vector<16xi32>
    %add3A_14 = arith.addi %iota3A, %add3A_13 : vector<16xi32>
    "tpu.region"() ({
      %run_scoped3A = tpu.sem_alloc : memref<!tpu.dma_semaphore, #tpu.memory_space<semaphore_mem>>
      %dma_start3A = arith.constant 0 : i32
      %dma_start3A_20 = arith.constant 0 : i32
      %dma_start3A_21 = tpu.memref_slice %arg6[%dma_start3A, %dma_start3A_20] : memref<128x8xf32, #tpu.memory_space<vmem>> -> memref<16x8xf32, #tpu.memory_space<vmem>>
      %dma_start3A_22 = arith.constant 0 : i32
      %dma_start3A_23 = arith.constant 0 : i32
      %dma_start3A_24 = tpu.memref_slice %arg7[%dma_start3A_22, %dma_start3A_23] : memref<10240x8xf32, #tpu.memory_space<vmem_shared>> -> memref<10240x8xf32, #tpu.memory_space<vmem_shared>>
      tpu.enqueue_indirect_dma source(%dma_start3A_21 : memref<16x8xf32, #tpu.memory_space<vmem>>) target(%dma_start3A_24 : memref<10240x8xf32, #tpu.memory_space<vmem_shared>>) offsets(%add3A_14 : vector<16xi32>) semaphore(%run_scoped3A : memref<!tpu.dma_semaphore, #tpu.memory_space<semaphore_mem>>) {add = true}
      %dma_wait3A = arith.constant 0 : i32
      %dma_wait3A_25 = arith.constant 0 : i32
      %dma_wait3A_26 = tpu.memref_slice %arg6[%dma_wait3A, %dma_wait3A_25] : memref<128x8xf32, #tpu.memory_space<vmem>> -> memref<16x8xf32, #tpu.memory_space<vmem>>
      %dma_wait3A_27 = arith.constant 0 : i32
      %dma_wait3A_28 = arith.constant 0 : i32
      %dma_wait3A_29 = tpu.memref_slice %arg7[%dma_wait3A_27, %dma_wait3A_28] : memref<10240x8xf32, #tpu.memory_space<vmem_shared>> -> memref<10240x8xf32, #tpu.memory_space<vmem_shared>>
      tpu.wait_indirect_dma semaphore(%run_scoped3A : memref<!tpu.dma_semaphore, #tpu.memory_space<semaphore_mem>>) src(%dma_wait3A_26 : memref<16x8xf32, #tpu.memory_space<vmem>>) dst(%dma_wait3A_29 : memref<10240x8xf32, #tpu.memory_space<vmem_shared>>)
      tpu.yield
    }) : () -> ()
    %barrier3A_15 = arith.constant 0 : index
    tpu.barrier barrier_id(%barrier3A_15)
    %delay3A = arith.constant 2000 : i32
    tpu.delay %delay3A
    %mul3A_16 = arith.constant 640 : i32
    %mul3A_17 = arith.muli %arg1, %mul3A_16 : i32
    %mul3A_18 = arith.constant 640 : i32
    %mul3A_19 = arith.muli %arg1, %mul3A_18 : i32
    "tpu.region"() ({
      %run_scoped3A = tpu.sem_alloc : memref<!tpu.dma_semaphore, #tpu.memory_space<semaphore_mem>>
      %dma_start3A = arith.constant 0 : i32
      %dma_start3A_20 = tpu.memref_slice %arg4[%arg0, %mul3A_19, %dma_start3A] : memref<2x10240x8xf32, #tpu.memory_space<hbm>> -> memref<1x640x8xf32, #tpu.memory_space<hbm>>
      %dma_start3A_21 = tpu.memref_squeeze %dma_start3A_20 : memref<1x640x8xf32, #tpu.memory_space<hbm>> -> memref<640x8xf32, #tpu.memory_space<hbm>>
      %dma_start3A_22 = arith.constant 0 : i32
      %dma_start3A_23 = tpu.memref_slice %arg7[%mul3A_17, %dma_start3A_22] : memref<10240x8xf32, #tpu.memory_space<vmem_shared>> -> memref<640x8xf32, #tpu.memory_space<vmem_shared>>
      tpu.enqueue_dma source(%dma_start3A_23 : memref<640x8xf32, #tpu.memory_space<vmem_shared>>) target(%dma_start3A_21 : memref<640x8xf32, #tpu.memory_space<hbm>>) target_semaphore(%run_scoped3A : memref<!tpu.dma_semaphore, #tpu.memory_space<semaphore_mem>>)
      %dma_wait3A = arith.constant 0 : i32
      %dma_wait3A_24 = tpu.memref_slice %arg4[%arg0, %mul3A_19, %dma_wait3A] : memref<2x10240x8xf32, #tpu.memory_space<hbm>> -> memref<1x640x8xf32, #tpu.memory_space<hbm>>
      %dma_wait3A_25 = tpu.memref_squeeze %dma_wait3A_24 : memref<1x640x8xf32, #tpu.memory_space<hbm>> -> memref<640x8xf32, #tpu.memory_space<hbm>>
      %dma_wait3A_26 = arith.constant 0 : i32
      %dma_wait3A_27 = tpu.memref_slice %arg7[%mul3A_17, %dma_wait3A_26] : memref<10240x8xf32, #tpu.memory_space<vmem_shared>> -> memref<640x8xf32, #tpu.memory_space<vmem_shared>>
      tpu.wait_dma2 semaphore(%run_scoped3A : memref<!tpu.dma_semaphore, #tpu.memory_space<semaphore_mem>>) src(%dma_wait3A_27 : memref<640x8xf32, #tpu.memory_space<vmem_shared>>) dst(%dma_wait3A_25 : memref<640x8xf32, #tpu.memory_space<hbm>>)
      tpu.yield
    }) : () -> ()
    return
  }
}

#map = affine_map<(d0, d1) -> (0, 0)>
#map1 = affine_map<(d0, d1) -> (0, 0, 0)>
module attributes {stable_mosaic.version = 14 : i64} {
  func.func @_agg_kernel(%arg0: i32, %arg1: i32, %arg2: memref<10240x128xf32, #tpu.memory_space<hbm>>, %arg3: memref<2560x128xi32, #tpu.memory_space<hbm>>, %arg4: memref<2560x128xi32, #tpu.memory_space<hbm>>, %arg5: memref<2x10240x128xf32, #tpu.memory_space<hbm>>, %arg6: memref<16x128xi32, #tpu.memory_space<vmem>>, %arg7: memref<16x128xi32, #tpu.memory_space<vmem>>, %arg8: memref<128x128xf32, #tpu.memory_space<vmem>>, %arg9: memref<128x128xf32, #tpu.memory_space<vmem>>, %arg10: memref<10240x128xf32, #tpu.memory_space<vmem_shared>>, %arg11: memref<!tpu.dma_semaphore, #tpu.memory_space<semaphore_mem>>, %arg12: memref<!tpu.dma_semaphore, #tpu.memory_space<semaphore_mem>>) attributes {dimension_semantics = [#tpu.dimension_semantics<core_parallel>, #tpu.dimension_semantics<subcore_parallel>], iteration_bounds = array<i64: 2, 16>, scalar_prefetch = 0 : i64, scratch_operands = 7 : i64, tpu.core_type = #tpu.core_type<sc_vector_subcore>, window_params = [{transform_indices = #map}, {transform_indices = #map}, {transform_indices = #map}, {transform_indices = #map1}]} {
    %mul3A = arith.constant 16 : i32
    %mul3A_0 = arith.muli %arg0, %mul3A : i32
    %add3A = arith.addi %mul3A_0, %arg1 : i32
    %mul3A_1 = arith.constant 640 : i32
    %mul3A_2 = arith.muli %arg1, %mul3A_1 : i32
    %mul3A_3 = arith.constant 640 : i32
    %mul3A_4 = arith.muli %arg1, %mul3A_3 : i32
    "tpu.region"() ({
      %run_scoped3A = tpu.sem_alloc : memref<!tpu.dma_semaphore, #tpu.memory_space<semaphore_mem>>
      %dma_start3A = arith.constant 0 : i32
      %dma_start3A_18 = tpu.memref_slice %arg10[%mul3A_4, %dma_start3A] : memref<10240x128xf32, #tpu.memory_space<vmem_shared>> -> memref<640x128xf32, #tpu.memory_space<vmem_shared>>
      %dma_start3A_19 = arith.constant 0 : i32
      %dma_start3A_20 = tpu.memref_slice %arg2[%mul3A_2, %dma_start3A_19] : memref<10240x128xf32, #tpu.memory_space<hbm>> -> memref<640x128xf32, #tpu.memory_space<hbm>>
      tpu.enqueue_dma source(%dma_start3A_20 : memref<640x128xf32, #tpu.memory_space<hbm>>) target(%dma_start3A_18 : memref<640x128xf32, #tpu.memory_space<vmem_shared>>) target_semaphore(%run_scoped3A : memref<!tpu.dma_semaphore, #tpu.memory_space<semaphore_mem>>)
      %dma_wait3A = arith.constant 0 : i32
      %dma_wait3A_21 = tpu.memref_slice %arg10[%mul3A_4, %dma_wait3A] : memref<10240x128xf32, #tpu.memory_space<vmem_shared>> -> memref<640x128xf32, #tpu.memory_space<vmem_shared>>
      %dma_wait3A_22 = arith.constant 0 : i32
      %dma_wait3A_23 = tpu.memref_slice %arg2[%mul3A_2, %dma_wait3A_22] : memref<10240x128xf32, #tpu.memory_space<hbm>> -> memref<640x128xf32, #tpu.memory_space<hbm>>
      tpu.wait_dma2 semaphore(%run_scoped3A : memref<!tpu.dma_semaphore, #tpu.memory_space<semaphore_mem>>) src(%dma_wait3A_23 : memref<640x128xf32, #tpu.memory_space<hbm>>) dst(%dma_wait3A_21 : memref<640x128xf32, #tpu.memory_space<vmem_shared>>)
      tpu.yield
    }) : () -> ()
    %barrier3A = arith.constant 0 : index
    tpu.barrier barrier_id(%barrier3A)
    %scan3A = arith.constant 0 : i32
    %scan3A_5 = arith.constant 0 : i32
    %scan3A_6 = arith.constant 5 : i32
    %scan3A_7 = arith.addi %scan3A_5, %scan3A_6 : i32
    %scan3A_8 = arith.constant 1 : i32
    scf.for %scan3A_18 = %scan3A_5 to %scan3A_7 step %scan3A_8  : i32 {
      %mul3A_19 = arith.constant 80 : i32
      %mul3A_20 = arith.muli %add3A, %mul3A_19 : i32
      %mul3A_21 = arith.constant 16 : i32
      %mul3A_22 = arith.muli %scan3A_18, %mul3A_21 : i32
      %add3A_23 = arith.addi %mul3A_20, %mul3A_22 : i32
      "tpu.region"() ({
        %run_scoped3A = tpu.sem_alloc : memref<!tpu.dma_semaphore, #tpu.memory_space<semaphore_mem>>
        %dma_start3A_36 = arith.constant 0 : i32
        %dma_start3A_37 = tpu.memref_slice %arg3[%add3A_23, %dma_start3A_36] : memref<2560x128xi32, #tpu.memory_space<hbm>> -> memref<16x128xi32, #tpu.memory_space<hbm>>
        %dma_start3A_38 = arith.constant 0 : i32
        %dma_start3A_39 = tpu.memref_slice %arg3[%add3A_23, %dma_start3A_38] : memref<2560x128xi32, #tpu.memory_space<hbm>> -> memref<16x128xi32, #tpu.memory_space<hbm>>
        tpu.enqueue_dma source(%dma_start3A_39 : memref<16x128xi32, #tpu.memory_space<hbm>>) target(%arg6 : memref<16x128xi32, #tpu.memory_space<vmem>>) target_semaphore(%run_scoped3A : memref<!tpu.dma_semaphore, #tpu.memory_space<semaphore_mem>>)
        %dma_wait3A = arith.constant 0 : i32
        %dma_wait3A_40 = tpu.memref_slice %arg3[%add3A_23, %dma_wait3A] : memref<2560x128xi32, #tpu.memory_space<hbm>> -> memref<16x128xi32, #tpu.memory_space<hbm>>
        %dma_wait3A_41 = arith.constant 0 : i32
        %dma_wait3A_42 = tpu.memref_slice %arg3[%add3A_23, %dma_wait3A_41] : memref<2560x128xi32, #tpu.memory_space<hbm>> -> memref<16x128xi32, #tpu.memory_space<hbm>>
        tpu.wait_dma2 semaphore(%run_scoped3A : memref<!tpu.dma_semaphore, #tpu.memory_space<semaphore_mem>>) src(%dma_wait3A_42 : memref<16x128xi32, #tpu.memory_space<hbm>>) dst(%arg6 : memref<16x128xi32, #tpu.memory_space<vmem>>)
        tpu.yield
      }) : () -> ()
      "tpu.region"() ({
        %run_scoped3A = tpu.sem_alloc : memref<!tpu.dma_semaphore, #tpu.memory_space<semaphore_mem>>
        %dma_start3A_36 = arith.constant 0 : i32
        %dma_start3A_37 = tpu.memref_slice %arg4[%add3A_23, %dma_start3A_36] : memref<2560x128xi32, #tpu.memory_space<hbm>> -> memref<16x128xi32, #tpu.memory_space<hbm>>
        %dma_start3A_38 = arith.constant 0 : i32
        %dma_start3A_39 = tpu.memref_slice %arg4[%add3A_23, %dma_start3A_38] : memref<2560x128xi32, #tpu.memory_space<hbm>> -> memref<16x128xi32, #tpu.memory_space<hbm>>
        tpu.enqueue_dma source(%dma_start3A_39 : memref<16x128xi32, #tpu.memory_space<hbm>>) target(%arg7 : memref<16x128xi32, #tpu.memory_space<vmem>>) target_semaphore(%run_scoped3A : memref<!tpu.dma_semaphore, #tpu.memory_space<semaphore_mem>>)
        %dma_wait3A = arith.constant 0 : i32
        %dma_wait3A_40 = tpu.memref_slice %arg4[%add3A_23, %dma_wait3A] : memref<2560x128xi32, #tpu.memory_space<hbm>> -> memref<16x128xi32, #tpu.memory_space<hbm>>
        %dma_wait3A_41 = arith.constant 0 : i32
        %dma_wait3A_42 = tpu.memref_slice %arg4[%add3A_23, %dma_wait3A_41] : memref<2560x128xi32, #tpu.memory_space<hbm>> -> memref<16x128xi32, #tpu.memory_space<hbm>>
        tpu.wait_dma2 semaphore(%run_scoped3A : memref<!tpu.dma_semaphore, #tpu.memory_space<semaphore_mem>>) src(%dma_wait3A_42 : memref<16x128xi32, #tpu.memory_space<hbm>>) dst(%arg7 : memref<16x128xi32, #tpu.memory_space<vmem>>)
        tpu.yield
      }) : () -> ()
      %dma_start3A = arith.constant 0 : i32
      %dma_start3A_24 = arith.constant 0 : i32
      %dma_start3A_25 = tpu.memref_slice %arg6[%dma_start3A, %dma_start3A_24] : memref<16x128xi32, #tpu.memory_space<vmem>> -> memref<1x128xi32, #tpu.memory_space<vmem>>
      %dma_start3A_26 = tpu.memref_squeeze %dma_start3A_25 : memref<1x128xi32, #tpu.memory_space<vmem>> -> memref<128xi32, #tpu.memory_space<vmem>>
      %dma_start3A_27 = arith.constant 0 : i32
      %dma_start3A_28 = arith.constant 0 : i32
      %dma_start3A_29 = tpu.memref_slice %arg2[%dma_start3A_27, %dma_start3A_28] : memref<10240x128xf32, #tpu.memory_space<hbm>> -> memref<10240x128xf32, #tpu.memory_space<hbm>>
      tpu.enqueue_indirect_dma source(%dma_start3A_29 : memref<10240x128xf32, #tpu.memory_space<hbm>>) target(%arg8 : memref<128x128xf32, #tpu.memory_space<vmem>>) offsets(%dma_start3A_26 : memref<128xi32, #tpu.memory_space<vmem>>) semaphore(%arg11 : memref<!tpu.dma_semaphore, #tpu.memory_space<semaphore_mem>>)
      %scan3A_30 = arith.constant 0 : i32
      %scan3A_31 = arith.constant 0 : i32
      %scan3A_32 = arith.constant 8 : i32
      %scan3A_33 = arith.addi %scan3A_31, %scan3A_32 : i32
      %scan3A_34 = arith.constant 1 : i32
      scf.for %scan3A_36 = %scan3A_31 to %scan3A_33 step %scan3A_34  : i32 {
        %mul3A_37 = arith.constant 2 : i32
        %mul3A_38 = arith.muli %mul3A_37, %scan3A_36 : i32
        %add3A_39 = arith.constant 1 : i32
        %add3A_40 = arith.addi %mul3A_38, %add3A_39 : i32
        %dma_start3A_41 = arith.constant 0 : i32
        %dma_start3A_42 = tpu.memref_slice %arg6[%add3A_40, %dma_start3A_41] : memref<16x128xi32, #tpu.memory_space<vmem>> -> memref<1x128xi32, #tpu.memory_space<vmem>>
        %dma_start3A_43 = tpu.memref_squeeze %dma_start3A_42 : memref<1x128xi32, #tpu.memory_space<vmem>> -> memref<128xi32, #tpu.memory_space<vmem>>
        %dma_start3A_44 = arith.constant 0 : i32
        %dma_start3A_45 = arith.constant 0 : i32
        %dma_start3A_46 = tpu.memref_slice %arg2[%dma_start3A_44, %dma_start3A_45] : memref<10240x128xf32, #tpu.memory_space<hbm>> -> memref<10240x128xf32, #tpu.memory_space<hbm>>
        tpu.enqueue_indirect_dma source(%dma_start3A_46 : memref<10240x128xf32, #tpu.memory_space<hbm>>) target(%arg9 : memref<128x128xf32, #tpu.memory_space<vmem>>) offsets(%dma_start3A_43 : memref<128xi32, #tpu.memory_space<vmem>>) semaphore(%arg12 : memref<!tpu.dma_semaphore, #tpu.memory_space<semaphore_mem>>)
        %dma_wait3A = arith.constant 0 : i32
        %dma_wait3A_47 = tpu.memref_slice %arg6[%mul3A_38, %dma_wait3A] : memref<16x128xi32, #tpu.memory_space<vmem>> -> memref<1x128xi32, #tpu.memory_space<vmem>>
        %dma_wait3A_48 = tpu.memref_squeeze %dma_wait3A_47 : memref<1x128xi32, #tpu.memory_space<vmem>> -> memref<128xi32, #tpu.memory_space<vmem>>
        %dma_wait3A_49 = arith.constant 0 : i32
        %dma_wait3A_50 = arith.constant 0 : i32
        %dma_wait3A_51 = tpu.memref_slice %arg2[%dma_wait3A_49, %dma_wait3A_50] : memref<10240x128xf32, #tpu.memory_space<hbm>> -> memref<10240x128xf32, #tpu.memory_space<hbm>>
        tpu.wait_indirect_dma semaphore(%arg11 : memref<!tpu.dma_semaphore, #tpu.memory_space<semaphore_mem>>) src(%dma_wait3A_51 : memref<10240x128xf32, #tpu.memory_space<hbm>>) dst(%arg8 : memref<128x128xf32, #tpu.memory_space<vmem>>)
        "tpu.region"() ({
          %run_scoped3A = tpu.sem_alloc : memref<!tpu.dma_semaphore, #tpu.memory_space<semaphore_mem>>
          %dma_start3A_60 = arith.constant 0 : i32
          %dma_start3A_61 = tpu.memref_slice %arg7[%mul3A_38, %dma_start3A_60] : memref<16x128xi32, #tpu.memory_space<vmem>> -> memref<1x128xi32, #tpu.memory_space<vmem>>
          %dma_start3A_62 = tpu.memref_squeeze %dma_start3A_61 : memref<1x128xi32, #tpu.memory_space<vmem>> -> memref<128xi32, #tpu.memory_space<vmem>>
          %dma_start3A_63 = arith.constant 0 : i32
          %dma_start3A_64 = arith.constant 0 : i32
          %dma_start3A_65 = tpu.memref_slice %arg10[%dma_start3A_63, %dma_start3A_64] : memref<10240x128xf32, #tpu.memory_space<vmem_shared>> -> memref<10240x128xf32, #tpu.memory_space<vmem_shared>>
          tpu.enqueue_indirect_dma source(%arg8 : memref<128x128xf32, #tpu.memory_space<vmem>>) target(%dma_start3A_65 : memref<10240x128xf32, #tpu.memory_space<vmem_shared>>) offsets(%dma_start3A_62 : memref<128xi32, #tpu.memory_space<vmem>>) semaphore(%run_scoped3A : memref<!tpu.dma_semaphore, #tpu.memory_space<semaphore_mem>>) {add = true}
          %dma_wait3A_66 = arith.constant 0 : i32
          %dma_wait3A_67 = tpu.memref_slice %arg7[%mul3A_38, %dma_wait3A_66] : memref<16x128xi32, #tpu.memory_space<vmem>> -> memref<1x128xi32, #tpu.memory_space<vmem>>
          %dma_wait3A_68 = tpu.memref_squeeze %dma_wait3A_67 : memref<1x128xi32, #tpu.memory_space<vmem>> -> memref<128xi32, #tpu.memory_space<vmem>>
          %dma_wait3A_69 = arith.constant 0 : i32
          %dma_wait3A_70 = arith.constant 0 : i32
          %dma_wait3A_71 = tpu.memref_slice %arg10[%dma_wait3A_69, %dma_wait3A_70] : memref<10240x128xf32, #tpu.memory_space<vmem_shared>> -> memref<10240x128xf32, #tpu.memory_space<vmem_shared>>
          tpu.wait_indirect_dma semaphore(%run_scoped3A : memref<!tpu.dma_semaphore, #tpu.memory_space<semaphore_mem>>) src(%arg8 : memref<128x128xf32, #tpu.memory_space<vmem>>) dst(%dma_wait3A_71 : memref<10240x128xf32, #tpu.memory_space<vmem_shared>>)
          tpu.yield
        }) : () -> ()
        %lt3A = arith.constant 7 : i32
        %lt3A_52 = arith.cmpi slt, %scan3A_36, %lt3A : i32
        %convert_element_type3A = arith.extui %lt3A_52 : i1 to i32
        %cond3A = arith.constant 0 : i32
        %cond3A_53 = arith.cmpi ne, %convert_element_type3A, %cond3A : i32
        scf.if %cond3A_53 {
          %add3A_60 = arith.constant 2 : i32
          %add3A_61 = arith.addi %mul3A_38, %add3A_60 : i32
          %dma_start3A_62 = arith.constant 0 : i32
          %dma_start3A_63 = tpu.memref_slice %arg6[%add3A_61, %dma_start3A_62] : memref<16x128xi32, #tpu.memory_space<vmem>> -> memref<1x128xi32, #tpu.memory_space<vmem>>
          %dma_start3A_64 = tpu.memref_squeeze %dma_start3A_63 : memref<1x128xi32, #tpu.memory_space<vmem>> -> memref<128xi32, #tpu.memory_space<vmem>>
          %dma_start3A_65 = arith.constant 0 : i32
          %dma_start3A_66 = arith.constant 0 : i32
          %dma_start3A_67 = tpu.memref_slice %arg2[%dma_start3A_65, %dma_start3A_66] : memref<10240x128xf32, #tpu.memory_space<hbm>> -> memref<10240x128xf32, #tpu.memory_space<hbm>>
          tpu.enqueue_indirect_dma source(%dma_start3A_67 : memref<10240x128xf32, #tpu.memory_space<hbm>>) target(%arg8 : memref<128x128xf32, #tpu.memory_space<vmem>>) offsets(%dma_start3A_64 : memref<128xi32, #tpu.memory_space<vmem>>) semaphore(%arg11 : memref<!tpu.dma_semaphore, #tpu.memory_space<semaphore_mem>>)
        } else {
        }
        %dma_wait3A_54 = arith.constant 0 : i32
        %dma_wait3A_55 = tpu.memref_slice %arg6[%add3A_40, %dma_wait3A_54] : memref<16x128xi32, #tpu.memory_space<vmem>> -> memref<1x128xi32, #tpu.memory_space<vmem>>
        %dma_wait3A_56 = tpu.memref_squeeze %dma_wait3A_55 : memref<1x128xi32, #tpu.memory_space<vmem>> -> memref<128xi32, #tpu.memory_space<vmem>>
        %dma_wait3A_57 = arith.constant 0 : i32
        %dma_wait3A_58 = arith.constant 0 : i32
        %dma_wait3A_59 = tpu.memref_slice %arg2[%dma_wait3A_57, %dma_wait3A_58] : memref<10240x128xf32, #tpu.memory_space<hbm>> -> memref<10240x128xf32, #tpu.memory_space<hbm>>
        tpu.wait_indirect_dma semaphore(%arg12 : memref<!tpu.dma_semaphore, #tpu.memory_space<semaphore_mem>>) src(%dma_wait3A_59 : memref<10240x128xf32, #tpu.memory_space<hbm>>) dst(%arg9 : memref<128x128xf32, #tpu.memory_space<vmem>>)
        "tpu.region"() ({
          %run_scoped3A = tpu.sem_alloc : memref<!tpu.dma_semaphore, #tpu.memory_space<semaphore_mem>>
          %dma_start3A_60 = arith.constant 0 : i32
          %dma_start3A_61 = tpu.memref_slice %arg7[%add3A_40, %dma_start3A_60] : memref<16x128xi32, #tpu.memory_space<vmem>> -> memref<1x128xi32, #tpu.memory_space<vmem>>
          %dma_start3A_62 = tpu.memref_squeeze %dma_start3A_61 : memref<1x128xi32, #tpu.memory_space<vmem>> -> memref<128xi32, #tpu.memory_space<vmem>>
          %dma_start3A_63 = arith.constant 0 : i32
          %dma_start3A_64 = arith.constant 0 : i32
          %dma_start3A_65 = tpu.memref_slice %arg10[%dma_start3A_63, %dma_start3A_64] : memref<10240x128xf32, #tpu.memory_space<vmem_shared>> -> memref<10240x128xf32, #tpu.memory_space<vmem_shared>>
          tpu.enqueue_indirect_dma source(%arg9 : memref<128x128xf32, #tpu.memory_space<vmem>>) target(%dma_start3A_65 : memref<10240x128xf32, #tpu.memory_space<vmem_shared>>) offsets(%dma_start3A_62 : memref<128xi32, #tpu.memory_space<vmem>>) semaphore(%run_scoped3A : memref<!tpu.dma_semaphore, #tpu.memory_space<semaphore_mem>>) {add = true}
          %dma_wait3A_66 = arith.constant 0 : i32
          %dma_wait3A_67 = tpu.memref_slice %arg7[%add3A_40, %dma_wait3A_66] : memref<16x128xi32, #tpu.memory_space<vmem>> -> memref<1x128xi32, #tpu.memory_space<vmem>>
          %dma_wait3A_68 = tpu.memref_squeeze %dma_wait3A_67 : memref<1x128xi32, #tpu.memory_space<vmem>> -> memref<128xi32, #tpu.memory_space<vmem>>
          %dma_wait3A_69 = arith.constant 0 : i32
          %dma_wait3A_70 = arith.constant 0 : i32
          %dma_wait3A_71 = tpu.memref_slice %arg10[%dma_wait3A_69, %dma_wait3A_70] : memref<10240x128xf32, #tpu.memory_space<vmem_shared>> -> memref<10240x128xf32, #tpu.memory_space<vmem_shared>>
          tpu.wait_indirect_dma semaphore(%run_scoped3A : memref<!tpu.dma_semaphore, #tpu.memory_space<semaphore_mem>>) src(%arg9 : memref<128x128xf32, #tpu.memory_space<vmem>>) dst(%dma_wait3A_71 : memref<10240x128xf32, #tpu.memory_space<vmem_shared>>)
          tpu.yield
        }) : () -> ()
      }
      %scan3A_35 = arith.constant 8 : i32
    }
    %scan3A_9 = arith.constant 5 : i32
    %iota3A = tpu.iota {dimensions = array<i32: 0>} : vector<16xi32>
    %add3A_10 = arith.constant 10224 : i32
    %add3A_11 = vector.broadcast %add3A_10 : i32 to vector<16xi32>
    %add3A_12 = arith.addi %iota3A, %add3A_11 : vector<16xi32>
    "tpu.region"() ({
      %run_scoped3A = tpu.sem_alloc : memref<!tpu.dma_semaphore, #tpu.memory_space<semaphore_mem>>
      %dma_start3A = arith.constant 0 : i32
      %dma_start3A_18 = arith.constant 0 : i32
      %dma_start3A_19 = tpu.memref_slice %arg8[%dma_start3A, %dma_start3A_18] : memref<128x128xf32, #tpu.memory_space<vmem>> -> memref<16x128xf32, #tpu.memory_space<vmem>>
      %dma_start3A_20 = arith.constant 0 : i32
      %dma_start3A_21 = arith.constant 0 : i32
      %dma_start3A_22 = tpu.memref_slice %arg10[%dma_start3A_20, %dma_start3A_21] : memref<10240x128xf32, #tpu.memory_space<vmem_shared>> -> memref<10240x128xf32, #tpu.memory_space<vmem_shared>>
      tpu.enqueue_indirect_dma source(%dma_start3A_19 : memref<16x128xf32, #tpu.memory_space<vmem>>) target(%dma_start3A_22 : memref<10240x128xf32, #tpu.memory_space<vmem_shared>>) offsets(%add3A_12 : vector<16xi32>) semaphore(%run_scoped3A : memref<!tpu.dma_semaphore, #tpu.memory_space<semaphore_mem>>) {add = true}
      %dma_wait3A = arith.constant 0 : i32
      %dma_wait3A_23 = arith.constant 0 : i32
      %dma_wait3A_24 = tpu.memref_slice %arg8[%dma_wait3A, %dma_wait3A_23] : memref<128x128xf32, #tpu.memory_space<vmem>> -> memref<16x128xf32, #tpu.memory_space<vmem>>
      %dma_wait3A_25 = arith.constant 0 : i32
      %dma_wait3A_26 = arith.constant 0 : i32
      %dma_wait3A_27 = tpu.memref_slice %arg10[%dma_wait3A_25, %dma_wait3A_26] : memref<10240x128xf32, #tpu.memory_space<vmem_shared>> -> memref<10240x128xf32, #tpu.memory_space<vmem_shared>>
      tpu.wait_indirect_dma semaphore(%run_scoped3A : memref<!tpu.dma_semaphore, #tpu.memory_space<semaphore_mem>>) src(%dma_wait3A_24 : memref<16x128xf32, #tpu.memory_space<vmem>>) dst(%dma_wait3A_27 : memref<10240x128xf32, #tpu.memory_space<vmem_shared>>)
      tpu.yield
    }) : () -> ()
    %barrier3A_13 = arith.constant 0 : index
    tpu.barrier barrier_id(%barrier3A_13)
    %delay3A = arith.constant 2000 : i32
    tpu.delay %delay3A
    %mul3A_14 = arith.constant 640 : i32
    %mul3A_15 = arith.muli %arg1, %mul3A_14 : i32
    %mul3A_16 = arith.constant 640 : i32
    %mul3A_17 = arith.muli %arg1, %mul3A_16 : i32
    "tpu.region"() ({
      %run_scoped3A = tpu.sem_alloc : memref<!tpu.dma_semaphore, #tpu.memory_space<semaphore_mem>>
      %dma_start3A = arith.constant 0 : i32
      %dma_start3A_18 = tpu.memref_slice %arg5[%arg0, %mul3A_17, %dma_start3A] : memref<2x10240x128xf32, #tpu.memory_space<hbm>> -> memref<1x640x128xf32, #tpu.memory_space<hbm>>
      %dma_start3A_19 = tpu.memref_squeeze %dma_start3A_18 : memref<1x640x128xf32, #tpu.memory_space<hbm>> -> memref<640x128xf32, #tpu.memory_space<hbm>>
      %dma_start3A_20 = arith.constant 0 : i32
      %dma_start3A_21 = tpu.memref_slice %arg10[%mul3A_15, %dma_start3A_20] : memref<10240x128xf32, #tpu.memory_space<vmem_shared>> -> memref<640x128xf32, #tpu.memory_space<vmem_shared>>
      tpu.enqueue_dma source(%dma_start3A_21 : memref<640x128xf32, #tpu.memory_space<vmem_shared>>) target(%dma_start3A_19 : memref<640x128xf32, #tpu.memory_space<hbm>>) target_semaphore(%run_scoped3A : memref<!tpu.dma_semaphore, #tpu.memory_space<semaphore_mem>>)
      %dma_wait3A = arith.constant 0 : i32
      %dma_wait3A_22 = tpu.memref_slice %arg5[%arg0, %mul3A_17, %dma_wait3A] : memref<2x10240x128xf32, #tpu.memory_space<hbm>> -> memref<1x640x128xf32, #tpu.memory_space<hbm>>
      %dma_wait3A_23 = tpu.memref_squeeze %dma_wait3A_22 : memref<1x640x128xf32, #tpu.memory_space<hbm>> -> memref<640x128xf32, #tpu.memory_space<hbm>>
      %dma_wait3A_24 = arith.constant 0 : i32
      %dma_wait3A_25 = tpu.memref_slice %arg10[%mul3A_15, %dma_wait3A_24] : memref<10240x128xf32, #tpu.memory_space<vmem_shared>> -> memref<640x128xf32, #tpu.memory_space<vmem_shared>>
      tpu.wait_dma2 semaphore(%run_scoped3A : memref<!tpu.dma_semaphore, #tpu.memory_space<semaphore_mem>>) src(%dma_wait3A_25 : memref<640x128xf32, #tpu.memory_space<vmem_shared>>) dst(%dma_wait3A_23 : memref<640x128xf32, #tpu.memory_space<hbm>>)
      tpu.yield
    }) : () -> ()
    return
  }
}

module attributes {stable_mosaic.version = 14 : i64} {
  func.func @_mm_body(%arg0: i32, %arg1: memref<1024x128xf32, #tpu.memory_space<vmem>>, %arg2: memref<128x128xf32, #tpu.memory_space<vmem>>, %arg3: memref<1024x128xf32, #tpu.memory_space<vmem>>) attributes {dimension_semantics = [#tpu.dimension_semantics<arbitrary>], iteration_bounds = array<i64: 10>, scalar_prefetch = 0 : i64, scratch_operands = 0 : i64, tpu.core_type = #tpu.core_type<tc>, window_params = [{transform_indices = @transform_0, window_bounds = array<i64: 1024, 128>}, {pipeline_mode = #tpu.pipeline_mode<synchronous>, transform_indices = @transform_1, window_bounds = array<i64: 128, 128>}, {transform_indices = @transform_2, window_bounds = array<i64: 1024, 128>}]} {
    %get3A = arith.constant 0 : index
    %get3A_0 = arith.constant 0 : index
    %get3A_1 = vector.load %arg1[%get3A, %get3A_0] : memref<1024x128xf32, #tpu.memory_space<vmem>>, vector<1024x128xf32>
    %get3A_2 = arith.constant 0 : index
    %get3A_3 = arith.constant 0 : index
    %get3A_4 = vector.load %arg2[%get3A_2, %get3A_3] : memref<128x128xf32, #tpu.memory_space<vmem>>, vector<128x128xf32>
    %dot_general3A = arith.constant dense<0.000000e+00> : vector<1024x128xf32>
    %dot_general3A_5 = tpu.matmul %get3A_1, %get3A_4, %dot_general3A {dimension_numbers = #tpu.dot_dimension_numbers<[1], [0], [0], [1], [0, 0, 1, 1], [], []>, transpose_lhs_hint = false} : vector<1024x128xf32>, vector<128x128xf32>, vector<1024x128xf32> -> vector<1024x128xf32>
    %swap3A = arith.constant 0 : index
    %swap3A_6 = arith.constant 0 : index
    %swap3A_7 = vector.load %arg3[%swap3A, %swap3A_6] : memref<1024x128xf32, #tpu.memory_space<vmem>>, vector<1024x128xf32>
    tpu.vector_store %arg3[%swap3A, %swap3A_6], %dot_general3A_5 {strides = array<i32>} : memref<1024x128xf32, #tpu.memory_space<vmem>>, vector<1024x128xf32>,
    return
  }
  func.func @transform_0(%arg0: i32) -> (i32, i32) {
    %c0_i32 = arith.constant 0 : i32
    %c0_i32_0 = arith.constant 0 : i32
    return %arg0, %c0_i32 : i32, i32
  }
  func.func @transform_1(%arg0: i32) -> (i32, i32) {
    %c0_i32 = arith.constant 0 : i32
    %c0_i32_0 = arith.constant 0 : i32
    %c0_i32_1 = arith.constant 0 : i32
    return %c0_i32, %c0_i32_0 : i32, i32
  }
  func.func @transform_2(%arg0: i32) -> (i32, i32) {
    %c0_i32 = arith.constant 0 : i32
    %c0_i32_0 = arith.constant 0 : i32
    return %arg0, %c0_i32 : i32, i32
  }
}

module attributes {stable_mosaic.version = 14 : i64} {
  func.func @_u1_body(%arg0: i32, %arg1: memref<1024x128xf32, #tpu.memory_space<vmem>>, %arg2: memref<1024x8xf32, #tpu.memory_space<vmem>>, %arg3: memref<1024x8xf32, #tpu.memory_space<vmem>>, %arg4: memref<1024x128xf32, #tpu.memory_space<vmem>>) attributes {dimension_semantics = [#tpu.dimension_semantics<arbitrary>], iteration_bounds = array<i64: 10>, scalar_prefetch = 0 : i64, scratch_operands = 0 : i64, tpu.core_type = #tpu.core_type<tc>, window_params = [{transform_indices = @transform_0, window_bounds = array<i64: 1024, 128>}, {transform_indices = @transform_1, window_bounds = array<i64: 1024, 8>}, {transform_indices = @transform_2, window_bounds = array<i64: 1024, 8>}, {transform_indices = @transform_3, window_bounds = array<i64: 1024, 128>}]} {
    %get3A = arith.constant 0 : index
    %get3A_0 = arith.constant 0 : index
    %get3A_1 = vector.load %arg2[%get3A, %get3A_0] : memref<1024x8xf32, #tpu.memory_space<vmem>>, vector<1024x8xf32>
    %get3A_2 = arith.constant 0 : index
    %get3A_3 = arith.constant 0 : index
    %get3A_4 = vector.load %arg3[%get3A_2, %get3A_3] : memref<1024x8xf32, #tpu.memory_space<vmem>>, vector<1024x8xf32>
    %add3A = arith.addf %get3A_1, %get3A_4 : vector<1024x8xf32>
    %sub3A = arith.constant 1.000000e+00 : f32
    %sub3A_5 = vector.broadcast %sub3A : f32 to vector<1024x8xf32>
    %sub3A_6 = arith.subf %add3A, %sub3A_5 : vector<1024x8xf32>
    %rsqrt3A = math.rsqrt %sub3A_6 : vector<1024x8xf32>
    %slice3A = vector.extract_strided_slice %rsqrt3A {offsets = [0, 0], sizes = [1024, 1], strides = [1, 1]} : vector<1024x8xf32> to vector<1024x1xf32>
    %get3A_7 = arith.constant 0 : index
    %get3A_8 = arith.constant 0 : index
    %get3A_9 = vector.load %arg1[%get3A_7, %get3A_8] : memref<1024x128xf32, #tpu.memory_space<vmem>>, vector<1024x128xf32>
    %mul3A = vector.broadcast %slice3A : vector<1024x1xf32> to vector<1024x128xf32>
    %mul3A_10 = arith.mulf %get3A_9, %mul3A : vector<1024x128xf32>
    %swap3A = arith.constant 0 : index
    %swap3A_11 = arith.constant 0 : index
    %swap3A_12 = vector.load %arg4[%swap3A, %swap3A_11] : memref<1024x128xf32, #tpu.memory_space<vmem>>, vector<1024x128xf32>
    tpu.vector_store %arg4[%swap3A, %swap3A_11], %mul3A_10 {strides = array<i32>} : memref<1024x128xf32, #tpu.memory_space<vmem>>, vector<1024x128xf32>,
    return
  }
  func.func @transform_0(%arg0: i32) -> (i32, i32) {
    %c0_i32 = arith.constant 0 : i32
    %c0_i32_0 = arith.constant 0 : i32
    return %arg0, %c0_i32 : i32, i32
  }
  func.func @transform_1(%arg0: i32) -> (i32, i32) {
    %c0_i32 = arith.constant 0 : i32
    %c0_i32_0 = arith.constant 0 : i32
    return %arg0, %c0_i32 : i32, i32
  }
  func.func @transform_2(%arg0: i32) -> (i32, i32) {
    %c0_i32 = arith.constant 0 : i32
    %c0_i32_0 = arith.constant 0 : i32
    return %arg0, %c0_i32 : i32, i32
  }
  func.func @transform_3(%arg0: i32) -> (i32, i32) {
    %c0_i32 = arith.constant 0 : i32
    %c0_i32_0 = arith.constant 0 : i32
    return %arg0, %c0_i32 : i32, i32
  }
}

module attributes {stable_mosaic.version = 14 : i64} {
  func.func @_fused_body(%arg0: i32, %arg1: memref<1024x128xf32, #tpu.memory_space<vmem>>, %arg2: memref<1024x128xf32, #tpu.memory_space<vmem>>, %arg3: memref<1024x128xf32, #tpu.memory_space<vmem>>, %arg4: memref<1024x8xf32, #tpu.memory_space<vmem>>, %arg5: memref<1024x8xf32, #tpu.memory_space<vmem>>, %arg6: memref<1x128xf32, #tpu.memory_space<vmem>>, %arg7: memref<128x128xf32, #tpu.memory_space<vmem>>, %arg8: memref<1024x128xf32, #tpu.memory_space<vmem>>, %arg9: memref<1024x128xf32, #tpu.memory_space<vmem>>) attributes {dimension_semantics = [#tpu.dimension_semantics<arbitrary>], iteration_bounds = array<i64: 10>, scalar_prefetch = 0 : i64, scratch_operands = 0 : i64, tpu.core_type = #tpu.core_type<tc>, window_params = [{transform_indices = @transform_0, window_bounds = array<i64: 1024, 128>}, {transform_indices = @transform_1, window_bounds = array<i64: 1024, 128>}, {transform_indices = @transform_2, window_bounds = array<i64: 1024, 128>}, {transform_indices = @transform_3, window_bounds = array<i64: 1024, 8>}, {transform_indices = @transform_4, window_bounds = array<i64: 1024, 8>}, {pipeline_mode = #tpu.pipeline_mode<synchronous>, transform_indices = @transform_5, window_bounds = array<i64: 1, 128>}, {pipeline_mode = #tpu.pipeline_mode<synchronous>, transform_indices = @transform_6, window_bounds = array<i64: 128, 128>}, {transform_indices = @transform_7, window_bounds = array<i64: 1024, 128>}, {transform_indices = @transform_8, window_bounds = array<i64: 1024, 128>}]} {
    %get3A = arith.constant 0 : index
    %get3A_0 = arith.constant 0 : index
    %get3A_1 = vector.load %arg4[%get3A, %get3A_0] : memref<1024x8xf32, #tpu.memory_space<vmem>>, vector<1024x8xf32>
    %get3A_2 = arith.constant 0 : index
    %get3A_3 = arith.constant 0 : index
    %get3A_4 = vector.load %arg5[%get3A_2, %get3A_3] : memref<1024x8xf32, #tpu.memory_space<vmem>>, vector<1024x8xf32>
    %add3A = arith.addf %get3A_1, %get3A_4 : vector<1024x8xf32>
    %sub3A = arith.constant 1.000000e+00 : f32
    %sub3A_5 = vector.broadcast %sub3A : f32 to vector<1024x8xf32>
    %sub3A_6 = arith.subf %add3A, %sub3A_5 : vector<1024x8xf32>
    %rsqrt3A = math.rsqrt %sub3A_6 : vector<1024x8xf32>
    %slice3A = vector.extract_strided_slice %rsqrt3A {offsets = [0, 0], sizes = [1024, 1], strides = [1, 1]} : vector<1024x8xf32> to vector<1024x1xf32>
    %get3A_7 = arith.constant 0 : index
    %get3A_8 = arith.constant 0 : index
    %get3A_9 = vector.load %arg1[%get3A_7, %get3A_8] : memref<1024x128xf32, #tpu.memory_space<vmem>>, vector<1024x128xf32>
    %get3A_10 = arith.constant 0 : index
    %get3A_11 = arith.constant 0 : index
    %get3A_12 = vector.load %arg2[%get3A_10, %get3A_11] : memref<1024x128xf32, #tpu.memory_space<vmem>>, vector<1024x128xf32>
    %add3A_13 = arith.addf %get3A_9, %get3A_12 : vector<1024x128xf32>
    %get3A_14 = arith.constant 0 : index
    %get3A_15 = arith.constant 0 : index
    %get3A_16 = vector.load %arg3[%get3A_14, %get3A_15] : memref<1024x128xf32, #tpu.memory_space<vmem>>, vector<1024x128xf32>
    %sub3A_17 = arith.subf %add3A_13, %get3A_16 : vector<1024x128xf32>
    %mul3A = vector.broadcast %slice3A : vector<1024x1xf32> to vector<1024x128xf32>
    %mul3A_18 = arith.mulf %mul3A, %sub3A_17 : vector<1024x128xf32>
    %get3A_19 = arith.constant 0 : index
    %get3A_20 = arith.constant 0 : index
    %get3A_21 = vector.load %arg6[%get3A_19, %get3A_20] : memref<1x128xf32, #tpu.memory_space<vmem>>, vector<1x128xf32>
    %add3A_22 = vector.broadcast %get3A_21 : vector<1x128xf32> to vector<1024x128xf32>
    %add3A_23 = arith.addf %mul3A_18, %add3A_22 : vector<1024x128xf32>
    %max3A = arith.constant 0.000000e+00 : f32
    %max3A_24 = vector.broadcast %max3A : f32 to vector<1024x128xf32>
    %max3A_25 = arith.maximumf %add3A_23, %max3A_24 : vector<1024x128xf32>
    %swap3A = arith.constant 0 : index
    %swap3A_26 = arith.constant 0 : index
    %swap3A_27 = vector.load %arg8[%swap3A, %swap3A_26] : memref<1024x128xf32, #tpu.memory_space<vmem>>, vector<1024x128xf32>
    tpu.vector_store %arg8[%swap3A, %swap3A_26], %max3A_25 {strides = array<i32>} : memref<1024x128xf32, #tpu.memory_space<vmem>>, vector<1024x128xf32>,
    %get3A_28 = arith.constant 0 : index
    %get3A_29 = arith.constant 0 : index
    %get3A_30 = vector.load %arg7[%get3A_28, %get3A_29] : memref<128x128xf32, #tpu.memory_space<vmem>>, vector<128x128xf32>
    %dot_general3A = arith.constant dense<0.000000e+00> : vector<1024x128xf32>
    %dot_general3A_31 = tpu.matmul %max3A_25, %get3A_30, %dot_general3A {dimension_numbers = #tpu.dot_dimension_numbers<[1], [0], [0], [1], [0, 0, 1, 1], [], []>, transpose_lhs_hint = false} : vector<1024x128xf32>, vector<128x128xf32>, vector<1024x128xf32> -> vector<1024x128xf32>
    %mul3A_32 = vector.broadcast %slice3A : vector<1024x1xf32> to vector<1024x128xf32>
    %mul3A_33 = arith.mulf %mul3A_32, %dot_general3A_31 : vector<1024x128xf32>
    %swap3A_34 = arith.constant 0 : index
    %swap3A_35 = arith.constant 0 : index
    %swap3A_36 = vector.load %arg9[%swap3A_34, %swap3A_35] : memref<1024x128xf32, #tpu.memory_space<vmem>>, vector<1024x128xf32>
    tpu.vector_store %arg9[%swap3A_34, %swap3A_35], %mul3A_33 {strides = array<i32>} : memref<1024x128xf32, #tpu.memory_space<vmem>>, vector<1024x128xf32>,
    return
  }
  func.func @transform_0(%arg0: i32) -> (i32, i32) {
    %c0_i32 = arith.constant 0 : i32
    %c0_i32_0 = arith.constant 0 : i32
    return %arg0, %c0_i32 : i32, i32
  }
  func.func @transform_1(%arg0: i32) -> (i32, i32) {
    %c0_i32 = arith.constant 0 : i32
    %c0_i32_0 = arith.constant 0 : i32
    return %arg0, %c0_i32 : i32, i32
  }
  func.func @transform_2(%arg0: i32) -> (i32, i32) {
    %c0_i32 = arith.constant 0 : i32
    %c0_i32_0 = arith.constant 0 : i32
    return %arg0, %c0_i32 : i32, i32
  }
  func.func @transform_3(%arg0: i32) -> (i32, i32) {
    %c0_i32 = arith.constant 0 : i32
    %c0_i32_0 = arith.constant 0 : i32
    return %arg0, %c0_i32 : i32, i32
  }
  func.func @transform_4(%arg0: i32) -> (i32, i32) {
    %c0_i32 = arith.constant 0 : i32
    %c0_i32_0 = arith.constant 0 : i32
    return %arg0, %c0_i32 : i32, i32
  }
  func.func @transform_5(%arg0: i32) -> (i32, i32) {
    %c0_i32 = arith.constant 0 : i32
    %c0_i32_0 = arith.constant 0 : i32
    %c0_i32_1 = arith.constant 0 : i32
    return %c0_i32, %c0_i32_0 : i32, i32
  }
  func.func @transform_6(%arg0: i32) -> (i32, i32) {
    %c0_i32 = arith.constant 0 : i32
    %c0_i32_0 = arith.constant 0 : i32
    %c0_i32_1 = arith.constant 0 : i32
    return %c0_i32, %c0_i32_0 : i32, i32
  }
  func.func @transform_7(%arg0: i32) -> (i32, i32) {
    %c0_i32 = arith.constant 0 : i32
    %c0_i32_0 = arith.constant 0 : i32
    return %arg0, %c0_i32 : i32, i32
  }
  func.func @transform_8(%arg0: i32) -> (i32, i32) {
    %c0_i32 = arith.constant 0 : i32
    %c0_i32_0 = arith.constant 0 : i32
    return %arg0, %c0_i32 : i32, i32
  }
}

</mosaic_0001>

<sc_bundles>
// kernel: closed_call.12.cloned.1.call-start
scs
__scs_entry_jumppad:
0x0: {  	(pc) =	sbr.rel $0x88, $3  }
0x1: {  	(tag) =	ssettag $0x0;
	lr =	simm.s32 $0x1  }
0x2: {  	[smem:$0x3F9B] =	sst lr;
	_ =	strace $0xD0000000  }
0x3: {  	_ = 	snop  }
0x4: {  	_ = 	snop  }
0x5: {  	_ = 	snop  }
0x6: {  	_ = 	snop  }
0x7: {  	_ = 	snop  }
__scs_overlays_trampoline_lowered:
0x8: {  	[smem:$0x3FAA] =	sst s0  }
0x9: {  	[smem:$0x3FAB] =	sst s1  }
0xa: {  	[smem:$0x3FAC] =	sst s2  }
0xb: {  	[smem:$0x3FAD] =	sst s3  }
0xc: {  	[smem:$0x3FAE] =	sst s4  }
0xd: {  	[smem:$0x3FAF] =	sst s5  }
0xe: {  	[smem:$0x3FB0] =	sst s6  }
0xf: {  	[smem:$0x3FB1] =	sst s7  }
0x10: {  	[smem:$0x3FB2] =	sst s8  }
0x11: {  	[smem:$0x3FB3] =	sst s9;
	s0 =	simm.s32 @!p0 $0x0  }
0x12: {  	s1 =	sld [smem:$0x3F99];
	s0 =	simm.s32 @p0 $0x1  }
0x13: {  	[smem:$0x3FB4] =	sst s0;
	s0 =	simm.s32 @!p1 $0x0  }
0x14: {  	s2 =	sld [smem:$0x3F98];
	s0 =	simm.s32 @p1 $0x1  }
0x15: {  	[smem:$0x3FB5] =	sst s0;
	s0 =	simm.s32 @!p2 $0x0  }
0x16: {  	s3 =	sld [smem:$0x3FDB];
	s0 =	simm.s32 @p2 $0x1  }
0x17: {  	s4 =	simm.s32 $0x1BF5;
	[smem:$0x3FB7] =	sst s0  }
0x18: {  	s0 =	sld [smem:$0x3F9A];
	_ =	swait.ge [sflag:s4], $0x0  }
0x19: {  	s7 =	sld [smem:$0x3F9B]  }
0x1a: {  	s8 =	sadd.s32 $0xFFFFE003, lr  }
0x1b: {  	s9 =	sadd.s32 $0xFFFFFEF7, lr;
	s5 =	simm.s32 $0xFFFFFFFF;
	p2 =	slt.u32 s8, $0xFFFFF086  }
0x1c: {  	p1 =	slt.u32 s9, $0xF7A;
	s5 =	simm.s32 @!p2 $0x0  }
0x1d: {  	s5 =	simm.s32 @p1 $0x1;
	p0 =	seq.s32 s7, s2  }
0x1e: {  	s7 =	smul.u32 @!p0 $0xF7A, s2;
	p2 =	seq.s32 @!p0 s5, $0x0  }
0x1f: {  	s9 =	smul.u32 $0xF7A, s1;
	s8 =	simm.s32 @!p0 $0x1BF5;
	p2 =	por !p2, p0  }
0x20: {  	[sflag:s8] =	ssyncset.s32 @!p0 $0xFFFFF086;
	s6 =	sadd.s32 @!p0 s3, s7;
	s7 =	simm.s32 @!p0 $0x108  }
0x21: {  	s3 =	sadd.s32 s3, s9;
	s6 =	sadd.s32 @!p0 $0x88, s6;
	s7 =	simm.s32 @p2 $0x1082  }
0x22: {  	[simem:s7], [sflag:s8] =	dma.local @!p0 [hbm:s6], $0xF7A  }
0x23: {  	s9 =	sor.u32 $0xD0000000, s2;
	s6 =	simm.s32 $0x108;
	_ =	swait.ge @!p0 [sflag:s8], $0x0  }
0x24: {  	s3 =	sadd.s32 $0x88, s3;
	s6 =	simm.s32 @!p1 $0x1082;
	[sflag:s4] =	ssyncset.s32 $0xFFFFF086  }
0x25: {  	[simem:s6], [sflag:s4] =	dma.local [hbm:s3], $0xF7A  }
0x26: {  	[smem:$0x3F9B] =	sst s1;
	(tag) =	ssettag s2;
	_ =	strace s9  }
0x27: {  	s1 =	sld [smem:$0x3FAB]  }
0x28: {  	s2 =	sld [smem:$0x3FAC]  }
0x29: {  	s4 =	sld [smem:$0x3FAE]  }
0x2a: {  	p0 =	seq.s32 s5, $0x0;
	s5 =	sld [smem:$0x3FAF]  }
0x2b: {  	s6 =	sld [smem:$0x3FB0]  }
0x2c: {  	s7 =	sld [smem:$0x3FB1]  }
0x2d: {  	s3 =	simm.s32 $0x108;
	s8 =	sld [smem:$0x3FB2]  }
0x2e: {  	s3 =	simm.s32 @!p0 $0x1082;
	s9 =	sld [smem:$0x3FB3]  }
0x2f: {  	lr =	sadd.s32 s0, s3;
	s0 =	sld [smem:$0x3FAA]  }
0x30: {  	s3 =	sld [smem:$0x3FAD]  }
0x31: {  	[smem:$0x3FB6] =	sst s10  }
0x32: {  	s10 =	sld [smem:$0x3FB4];
	_ =	sdelay $0x3  }
0x33: {  	p0 =	seq.s32 s10, $0x1;
	s10 =	sld [smem:$0x3FB6];
	_ =	sdelay $0x3  }
0x34: {  	[smem:$0x3FB6] =	sst s10  }
0x35: {  	s10 =	sld [smem:$0x3FB5];
	_ =	sdelay $0x3  }
0x36: {  	p1 =	seq.s32 s10, $0x1;
	s10 =	sld [smem:$0x3FB6];
	_ =	sdelay $0x3  }
0x37: {  	[smem:$0x3FB6] =	sst s10  }
0x38: {  	s10 =	sld [smem:$0x3FB7]  }
0x39: {  	_ = 	snop;
	(pc) =	sbr.ind lr, $3  }
0x3a: {  	_ = 	snop  }
0x3b: {  	_ = 	snop  }
0x3c: {  	p2 =	seq.s32 s10, $0x1;
	s10 =	sld [smem:$0x3FB6]  }
0x3d: {  	_ =	shalt  }
0x3e: {  	_ =	shalt  }
0x3f: {  	_ =	shalt  }
0x40: {  	_ =	shalt  }
0x41: {  	_ =	shalt  }
0x42: {  	_ =	shalt  }
0x43: {  	_ =	shalt  }
0x44: {  	_ =	shalt  }
0x45: {  	_ =	shalt  }
0x46: {  	_ =	shalt  }
0x47: {  	_ =	shalt  }
0x48: {  	_ =	shalt  }
0x49: {  	_ =	shalt  }
0x4a: {  	_ =	shalt  }
0x4b: {  	_ =	shalt  }
0x4c: {  	_ =	shalt  }
0x4d: {  	_ =	shalt  }
0x4e: {  	_ =	shalt  }
0x4f: {  	_ =	shalt  }
0x50: {  	_ =	shalt  }
0x51: {  	_ =	shalt  }
0x52: {  	_ =	shalt  }
0x53: {  	_ =	shalt  }
0x54: {  	_ =	shalt  }
0x55: {  	_ =	shalt  }
0x56: {  	_ =	shalt  }
0x57: {  	_ =	shalt  }
0x58: {  	_ =	shalt  }
0x59: {  	_ =	shalt  }
0x5a: {  	_ =	shalt  }
0x5b: {  	_ =	shalt  }
0x5c: {  	_ =	shalt  }
0x5d: {  	_ =	shalt  }
0x5e: {  	_ =	shalt  }
0x5f: {  	_ =	shalt  }
0x60: {  	_ =	shalt  }
0x61: {  	_ =	shalt  }
0x62: {  	_ =	shalt  }
0x63: {  	_ =	shalt  }
0x64: {  	_ =	shalt  }
0x65: {  	_ =	shalt  }
0x66: {  	_ =	shalt  }
0x67: {  	_ =	shalt  }
0x68: {  	_ =	shalt  }
0x69: {  	_ =	shalt  }
0x6a: {  	_ =	shalt  }
0x6b: {  	_ =	shalt  }
0x6c: {  	_ =	shalt  }
0x6d: {  	_ =	shalt  }
0x6e: {  	_ =	shalt  }
0x6f: {  	_ =	shalt  }
0x70: {  	_ =	shalt  }
0x71: {  	_ =	shalt  }
0x72: {  	_ =	shalt  }
0x73: {  	_ =	shalt  }
0x74: {  	_ =	shalt  }
0x75: {  	_ =	shalt  }
0x76: {  	_ =	shalt  }
0x77: {  	_ =	shalt  }
0x78: {  	_ =	shalt  }
0x79: {  	_ =	shalt  }
0x7a: {  	_ =	shalt  }
0x7b: {  	_ =	shalt  }
0x7c: {  	_ =	shalt  }
0x7d: {  	_ =	shalt  }
0x7e: {  	_ =	shalt  }
0x7f: {  	_ =	shalt  }
0x80: {  	_ =	shalt  }
0x81: {  	_ =	shalt  }
0x82: {  	_ =	shalt  }
0x83: {  	_ =	shalt  }
0x84: {  	_ =	shalt  }
0x85: {  	_ =	shalt  }
0x86: {  	_ =	shalt  }
0x87: {  	_ =	shalt  }
.Lfunc_end0:
.L_simem_size_0:
called_computation_lowered:
.L_overlay_start_0:
0x88: {  	s2 =	sld [smem:$0x3FD9]  }
0x89: {  	s3 =	sld [smem:$0x3FFE];
	_ =	sdelay $0x1  }
0x8a: {  	s1 =	srdreg.scid  }
0x8b: {  	s0 =	sand.u32 $0x1, s1  }
0x8c: {  	s17 =	sshll.u32 s0, $0xA;
	s2 =	sadd.s32 s3, s2  }
0x8d: {  	s2 =	sadd.s32 s2, s17  }
0x8e: {  	[smem:$0x3FC2] =	sst s2  }
0x8f: {  	_ = 	snop  }
0x90: {  	s2 =	sld [smem:$0x3FD0];
	(tm) =	ssettm $0x1  }
0x91: {  	s18 =	sld [smem:$0x3FFB];
	_ =	sdelay $0x3  }
0x92: {  	_ =	strace s18  }
0x93: {  	s3 =	sld [smem:$0x3FFC];
	_ =	sdelay $0x3  }
0x94: {  	_ =	strace s3  }
0x95: {  	s3 =	sld [smem:$0x3FFD];
	_ =	sdelay $0x3  }
0x96: {  	_ =	strace s3  }
0x97: {  	_ =	strace $0x8FFFFFFF  }
0x98: {  	s19 =	sld [smem:$0x3FDB];
	_ =	sdelay $0x1  }
0x99: {  	s4 =	simm.s32 $_scs_section_size  }
0x9a: {  	s5 =	simm.s32 $_size__tile_overlayer_lowered;
	s6 =	simm.s32 $_tile_overlayer_lowered  }
0x9b: {  	s22 =	simm.s32 $0x1BFF;
	s21 =	sshll.u32 s6, $0x1;
	s3 =	sadd.s32 s4, s19  }
0x9c: {  	s7 =	simm.s32 $0x0;
	s20 =	sshll.u32 s5, $0x1;
	s5 =	sadd.s32 s21, s3  }
0x9d: {  	[timem:s7], [sflag:s22] =	dma.local [hbm:s5], s20  }
0x9e: {  	_ =	swait.ge [sflag:s22], s20  }
0x9f: {  	s4 =	ssub.s32 $0x0, s20;
	[sflag:s22] =	ssyncset.done $0x0  }
0xa0: {  	[sflag:s22] =	ssyncadd.s32 s4;
	_ =	sdelay $0x1  }
0xa1: {  	s23 =	simm.s32 $0x1B8B  }
0xa2: {  	_ =	swait.ge [sflag:s23], $0x1  }
0xa3: {  	[sflag:s23] =	ssyncset.done $0x0  }
0xa4: {  	s25 =	simm.s32 $0x1B8E;
	s24 =	sld [smem:$0x3FFE];
	[sflag:s23] =	ssyncadd.s32 $0xFFFFFFFF  }
0xa5: {  	s26 =	simm.s32 $execute0_lowered;
	[smem:$0x3FD2] =	sst s25  }
0xa6: {  	s5 =	sshll.u32 s26, $0x1;
	_ =	strace $0x80000049;
	[dreg:$0x1] =	wrdreg $0xFFFFFFFF  }
0xa7: {  	s28 =	simm.s32 $_size_execute0_lowered;
	s3 =	sadd.s32 s3, s5;
	[dreg:$0x0] =	wrdreg $0x0  }
0xa8: {  	s5 =	sshll.u32 s28, $0x1;
	[dreg:$0x2] =	wrdreg s3  }
0xa9: {  	[dreg:$0x3] =	wrdreg s5  }
0xaa: {  	[dreg:$0x4] =	wrdreg $0xC0  }
0xab: {  	_ =	task [dreg:s7], $0x5FFFF  }
0xac: {  	[dreg:$0x1] =	wrdreg $0xFFFFFFFF  }
0xad: {  	[dreg:$0x0] =	wrdreg $0x60  }
0xae: {  	[dreg:$0x2] =	wrdreg s24  }
0xaf: {  	[dreg:$0x3] =	wrdreg s2  }
0xb0: {  	[dreg:$0x4] =	wrdreg $0x90000  }
0xb1: {  	[dreg:$0x5] =	wrdreg $0x9  }
0xb2: {  	_ =	task.clear_ibuf [dreg:s7], $0x6FFFF;
	_ =	strace $0x90000049  }
0xb3: {  	s29 =	simm.s32 $0x9;
	_ =	strace $0x8000004B  }
0xb4: {  	_ =	swait.ge [sflag:s29], $0x1  }
0xb5: {  	[sflag:s29] =	ssyncadd.s32 $0xFFFFFFFF  }
0xb6: {  	_ =	strace $0x9000004B  }
0xb7: {  	_ =	sfence  }
0xb8: {  	s30 =	sld [smem:$0x0];
	_ =	sdelay $0x2  }
0xb9: {  	s31 =	sshll.u32 s1, $0xD;
	s1 =	sshrl.u32 s1, $0x2  }
0xba: {  	s3 =	sand.u32 $0x4000, s31;
	s1 =	sadd.s32 s1, s30  }
0xbb: {  	s0 =	sor.u32 s3, s0;
	s1 =	sshll.u32 s1, $0x11  }
0xbc: {  	s0 =	sor.u32 s1, s0  }
0xbd: {  	s0 =	sadd.s32 $0x8F2B, s0  }
0xbe: {  	[sflag:s0] =	ssyncadd.remote.s32 $0x1  }
0xbf: {  	_ =	sfence.sel $0xFFFF  }
0xc0: {  	[dreg:$0x0] =	wrdreg $0xFFFFFFFF;
	(pc) =	sbr.abs _section_cstart, $3  }
0xc1: {  	[dreg:$0x1] =	wrdreg $0xFFFFFFFF  }
0xc2: {  	_ =	task.clear_ibuf [dreg:s7], $0x2FFFF;
	_ =	strace $0x9FFFFFFF  }
0xc3: {  	(tm) =	ssettm $0x7FFFFFFF  }
tec
execute0_lowered:
.L_overlay_start_1:
0x0: {  	(tag) =	ssettag $0x1  }
0x1: {  	s0 =	rddreg [dreg:$0x0];
	s1 =	srdreg.scid  }
0x2: {  	s5 =	rddreg [dreg:$0x1];
	s11 =	stileid.u32  }
0x3: {  	s2 =	rddreg [dreg:$0x2];
	s3 =	simm.s32 $0x0;
	s14 =	simm.s32 $0x100  }
0x4: {  	s15 =	simm.s32 $0x880;
	s17 =	simm.s32 $0x180;
	s18 =	simm.s32 $0x900  }
0x5: {  	s19 =	simm.s32 $0x200;
	s20 =	simm.s32 $0x980;
	[smem:$0x7FF] =	sst s3  }
0x6: {  	s21 =	simm.s32 $0x280;
	_ =	strace $0x8000004A;
	[dreg:$0x6] =	wrdreg s14  }
0x7: {  	s22 =	simm.s32 $0xA00;
	s23 =	simm.s32 $0x300;
	[dreg:$0x7] =	wrdreg s15  }
0x8: {  	s24 =	simm.s32 $0xA80;
	s25 =	simm.s32 $0x380;
	[dreg:$0x8] =	wrdreg s17  }
0x9: {  	s28 =	simm.s32 $0x680;
	s29 =	simm.s32 $0xE00;
	[dreg:$0x9] =	wrdreg s18  }
0xa: {  	s30 =	simm.s32 $0x700;
	s6 =	smul.u32 $0x2800, s11;
	[dreg:$0xa] =	wrdreg s19  }
0xb: {  	s31 =	simm.s32 $0xE80;
	s7 =	smul.u32 $0x14000, s11;
	[dreg:$0xb] =	wrdreg s20  }
0xc: {  	s1 =	sand.u32 $0x1, s1;
	s9 =	smul.u32 $0x50000, s11;
	[dreg:$0xc] =	wrdreg s21  }
0xd: {  	s16 =	sshll.u32 s11, $0x6;
	s4 =	smul.u32 $0x28000, s1;
	[dreg:$0xd] =	wrdreg s22  }
0xe: {  	s11 =	simm.s32 $0x800;
	s8 =	smul.u32 $0x140000, s1;
	[dreg:$0xe] =	wrdreg s23  }
0xf: {  	s1 =	ssub.s32 $0x2, s1;
	[dreg:$0xf] =	wrdreg s24;
	s14 =	simm.s32 $0x5000  }
0x10: {  	[dreg:$0x10] =	wrdreg s25;
	s15 =	simm.s32 $0x1;
	s17 =	simm.s32 $0x400  }
0x11: {  	s18 =	simm.s32 $0xB80;
	s19 =	simm.s32 $0x480;
	s20 =	simm.s32 $0xC00  }
0x12: {  	s21 =	simm.s32 $0x500;
	s22 =	simm.s32 $0xC80;
	s23 =	simm.s32 $0x580  }
0x13: {  	s24 =	simm.s32 $0xD00;
	s25 =	simm.s32 $0x600;
	s26 =	sshrl.u32 s1, $0x1  }
0x14: {  	s9 =	sshrl.u32 s9, $0x2;
	s6 =	sadd.s32 s6, s4;
	s4 =	sadd.s32 $0xCAA00, s0  }
0x15: {  	s8 =	sadd.s32 s7, s8;
	s1 =	ssub.s32 s1, s26;
	s12 =	sadd.s32 s9, s2  }
0x16: {  	s7 =	sshrl.u32 s7, $0x3;
	s26 =	simm.s32 $0xB00;
	s9 =	simm.s32 $0x0  }
0x17: {  	s6 =	sshrl.u32 s6, $0x3;
	s8 =	sshrl.u32 s8, $0x3;
	s7 =	sadd.s32 s4, s7  }
0x18: {  	s1 =	smax.u32 s1, $0x1;
	[dreg:$0x11] =	wrdreg s26;
	s26 =	simm.s32 $0xD80  }
0x19: {  	s10 =	sadd.s32 s6, s0;
	s0 =	sadd.s32 s8, s0;
	[dreg:$0x12] =	wrdreg s7  }
0x1a: {  	s5 =	sadd.s32 s6, s5;
	s7 =	sor.u32 $0x1C03, s16;
	[dreg:$0x15] =	wrdreg s1  }
0x1b: {  	s8 =	sshrl.u32 s12, $0x3;
	s12 =	simm.s32 $0x80;
	[dreg:$0x4] =	wrdreg s5  }
0x1c: {  	s16 =	simm.s32 $0x2;
	s1 =	simm.s32 $0x780;
	[dreg:$0x13] =	wrdreg s7  }
0x1d: {  	s13 =	sadd.s32 $0x2800, s10;
	s0 =	sadd.s32 $0xF2A00, s0;
	[dreg:$0x16] =	wrdreg s8  }
0x1e: {  	v0 =	vlaneseq.u32;
	s10 =	simm.s32 $0x3;
	s5 =	simm.s32 $0xF80;
	[dreg:$0x5] =	wrdreg s13  }
0x1f: {  	vm0 =	vmmov $0xffff;
	v0 =	vor.u32 $0x27F0, v0;
	[dreg:$0x14] =	wrdreg s0;
	s13 =	simm.s32 $0x1000;
	s0 =	simm.s32 $0xF00  }
.LBB2_1:
0x20: {  	[dreg:$0x17] =	wrdreg s9  }
0x21: {  	s6 =	rddreg [dreg:$0x12]  }
0x22: {  	[spmem:s8], [sflag:s7] =	dma.local [hbm:s6], $0x2800  }
0x23: {  	_ =	swait.ge [sflag:s10], $0x2800  }
0x24: {  	[sflag:s10] =	ssyncset.done $0x0  }
0x25: {  	[sflag:s10] =	ssyncadd.s32 $0xFFFFD800  }
0x26: {  	[bflag:$0x0] =	sbarrier.arrive $0xFFFF  }
0x27: {  	s8 =	rddreg [dreg:$0x5]  }
0x28: {  	s6 =	sadd.s32 $0x0, s8  }
0x29: {  	[tilespmem:s3], [sflag:$0x3] =	stream.linear.gather [hbm4b:s6+s3], $0x800, $0x38;
	[tilespmem:$0x1D000] =	vst v63  }
0x2a: {  	_ =	swait.ge [sflag:s10], $0x800  }
0x2b: {  	s9 =	rddreg [dreg:$0x4];
	[sflag:s10] =	ssyncset.done $0x0  }
0x2c: {  	[sflag:s10] =	ssyncadd.s32 $0xFFFFF800;
	s6 =	sadd.s32 $0x0, s9  }
0x2d: {  	[tilespmem:s11], [sflag:$0x3] =	stream.linear.gather [hbm4b:s6+s3], $0x800, $0x38;
	[tilespmem:$0x1D000] =	vst v63  }
0x2e: {  	_ =	swait.ge [sflag:s10], $0x800  }
0x2f: {  	[sflag:s10] =	ssyncset.done $0x0  }
0x30: {  	[sflag:s10] =	ssyncadd.s32 $0xFFFFF800  }
0x31: {  	[tilespmem:s13], [sflag:$0x1] =	stream.indirect.gather [hbm4b:s4+s12], $0x80, s3, s12, $0xb8;
	[tilespmem:$0x1D000] =	vst v63  }
0x32: {  	_ = 	snop  }
0x33: {  	[tilespmem:s14], [sflag:$0x2] =	stream.indirect.gather [hbm4b:s4+s12], $0x80, s12, s12, $0xb8;
	[tilespmem:$0x1D000] =	vst v63  }
0x34: {  	_ =	swait.ge [sflag:s15], $0x4000  }
0x35: {  	[sflag:s15] =	ssyncset.done $0x0  }
0x36: {  	[sflag:s15] =	ssyncadd.s32 $0xFFFFC000  }
0x37: {  	[spmem:s2] =	stream.indirect.scatter.add.f32 [tilespmem:s13], [sflag:$0x3], $0x80, s11, s12, $0xb8;
	[tilespmem:$0x1D000] =	vst v63  }
0x38: {  	_ =	swait.ge [sflag:s10], $0x4000  }
0x39: {  	[sflag:s10] =	ssyncset.done $0x0  }
0x3a: {  	s7 =	rddreg [dreg:$0x6];
	[sflag:s10] =	ssyncadd.s32 $0xFFFFC000  }
0x3b: {  	[tilespmem:s13], [sflag:$0x1] =	stream.indirect.gather [hbm4b:s4+s12], $0x80, s7, s12, $0xb8;
	[tilespmem:$0x1D000] =	vst v63  }
0x3c: {  	_ =	swait.ge [sflag:s16], $0x4000  }
0x3d: {  	[sflag:s16] =	ssyncset.done $0x0  }
0x3e: {  	s8 =	rddreg [dreg:$0x7];
	[sflag:s16] =	ssyncadd.s32 $0xFFFFC000  }
0x3f: {  	[spmem:s2] =	stream.indirect.scatter.add.f32 [tilespmem:s14], [sflag:$0x3], $0x80, s8, s12, $0xb8;
	[tilespmem:$0x1D000] =	vst v63  }
0x40: {  	_ =	swait.ge [sflag:s10], $0x4000  }
0x41: {  	[sflag:s10] =	ssyncset.done $0x0  }
0x42: {  	s9 =	rddreg [dreg:$0x8];
	[sflag:s10] =	ssyncadd.s32 $0xFFFFC000  }
0x43: {  	[tilespmem:s14], [sflag:$0x2] =	stream.indirect.gather [hbm4b:s4+s12], $0x80, s9, s12, $0xb8;
	[tilespmem:$0x1D000] =	vst v63  }
0x44: {  	_ =	swait.ge [sflag:s15], $0x4000  }
0x45: {  	[sflag:s15] =	ssyncset.done $0x0  }
0x46: {  	s7 =	rddreg [dreg:$0x9];
	[sflag:s15] =	ssyncadd.s32 $0xFFFFC000  }
0x47: {  	[spmem:s2] =	stream.indirect.scatter.add.f32 [tilespmem:s13], [sflag:$0x3], $0x80, s7, s12, $0xb8;
	[tilespmem:$0x1D000] =	vst v63  }
0x48: {  	_ =	swait.ge [sflag:s10], $0x4000  }
0x49: {  	[sflag:s10] =	ssyncset.done $0x0  }
0x4a: {  	s8 =	rddreg [dreg:$0xa];
	[sflag:s10] =	ssyncadd.s32 $0xFFFFC000  }
0x4b: {  	[tilespmem:s13], [sflag:$0x1] =	stream.indirect.gather [hbm4b:s4+s12], $0x80, s8, s12, $0xb8;
	[tilespmem:$0x1D000] =	vst v63  }
0x4c: {  	_ =	swait.ge [sflag:s16], $0x4000  }
0x4d: {  	[sflag:s16] =	ssyncset.done $0x0  }
0x4e: {  	s9 =	rddreg [dreg:$0xb];
	[sflag:s16] =	ssyncadd.s32 $0xFFFFC000  }
0x4f: {  	[spmem:s2] =	stream.indirect.scatter.add.f32 [tilespmem:s14], [sflag:$0x3], $0x80, s9, s12, $0xb8;
	[tilespmem:$0x1D000] =	vst v63  }
0x50: {  	_ =	swait.ge [sflag:s10], $0x4000  }
0x51: {  	[sflag:s10] =	ssyncset.done $0x0  }
0x52: {  	s7 =	rddreg [dreg:$0xc];
	[sflag:s10] =	ssyncadd.s32 $0xFFFFC000  }
0x53: {  	[tilespmem:s14], [sflag:$0x2] =	stream.indirect.gather [hbm4b:s4+s12], $0x80, s7, s12, $0xb8;
	[tilespmem:$0x1D000] =	vst v63  }
0x54: {  	_ =	swait.ge [sflag:s15], $0x4000  }
0x55: {  	[sflag:s15] =	ssyncset.done $0x0  }
0x56: {  	s8 =	rddreg [dreg:$0xd];
	[sflag:s15] =	ssyncadd.s32 $0xFFFFC000  }
0x57: {  	[spmem:s2] =	stream.indirect.scatter.add.f32 [tilespmem:s13], [sflag:$0x3], $0x80, s8, s12, $0xb8;
	[tilespmem:$0x1D000] =	vst v63  }
0x58: {  	_ =	swait.ge [sflag:s10], $0x4000  }
0x59: {  	[sflag:s10] =	ssyncset.done $0x0  }
0x5a: {  	s9 =	rddreg [dreg:$0xe];
	[sflag:s10] =	ssyncadd.s32 $0xFFFFC000  }
0x5b: {  	[tilespmem:s13], [sflag:$0x1] =	stream.indirect.gather [hbm4b:s4+s12], $0x80, s9, s12, $0xb8;
	[tilespmem:$0x1D000] =	vst v63  }
0x5c: {  	_ =	swait.ge [sflag:s16], $0x4000  }
0x5d: {  	[sflag:s16] =	ssyncset.done $0x0  }
0x5e: {  	s7 =	rddreg [dreg:$0xf];
	[sflag:s16] =	ssyncadd.s32 $0xFFFFC000  }
0x5f: {  	[spmem:s2] =	stream.indirect.scatter.add.f32 [tilespmem:s14], [sflag:$0x3], $0x80, s7, s12, $0xb8;
	[tilespmem:$0x1D000] =	vst v63  }
0x60: {  	_ =	swait.ge [sflag:s10], $0x4000  }
0x61: {  	[sflag:s10] =	ssyncset.done $0x0  }
0x62: {  	s8 =	rddreg [dreg:$0x10];
	[sflag:s10] =	ssyncadd.s32 $0xFFFFC000  }
0x63: {  	[tilespmem:s14], [sflag:$0x2] =	stream.indirect.gather [hbm4b:s4+s12], $0x80, s8, s12, $0xb8;
	[tilespmem:$0x1D000] =	vst v63  }
0x64: {  	_ =	swait.ge [sflag:s15], $0x4000  }
0x65: {  	[sflag:s15] =	ssyncset.done $0x0  }
0x66: {  	s9 =	rddreg [dreg:$0x11];
	[sflag:s15] =	ssyncadd.s32 $0xFFFFC000  }
0x67: {  	[spmem:s2] =	stream.indirect.scatter.add.f32 [tilespmem:s13], [sflag:$0x3], $0x80, s9, s12, $0xb8;
	[tilespmem:$0x1D000] =	vst v63  }
0x68: {  	_ =	swait.ge [sflag:s10], $0x4000  }
0x69: {  	[sflag:s10] =	ssyncset.done $0x0  }
0x6a: {  	[sflag:s10] =	ssyncadd.s32 $0xFFFFC000  }
0x6b: {  	[tilespmem:s13], [sflag:$0x1] =	stream.indirect.gather [hbm4b:s4+s12], $0x80, s17, s12, $0xb8;
	[tilespmem:$0x1D000] =	vst v63  }
0x6c: {  	_ =	swait.ge [sflag:s16], $0x4000  }
0x6d: {  	[sflag:s16] =	ssyncset.done $0x0  }
0x6e: {  	[sflag:s16] =	ssyncadd.s32 $0xFFFFC000  }
0x6f: {  	[spmem:s2] =	stream.indirect.scatter.add.f32 [tilespmem:s14], [sflag:$0x3], $0x80, s18, s12, $0xb8;
	[tilespmem:$0x1D000] =	vst v63  }
0x70: {  	_ =	swait.ge [sflag:s10], $0x4000  }
0x71: {  	[sflag:s10] =	ssyncset.done $0x0  }
0x72: {  	[sflag:s10] =	ssyncadd.s32 $0xFFFFC000  }
0x73: {  	[tilespmem:s14], [sflag:$0x2] =	stream.indirect.gather [hbm4b:s4+s12], $0x80, s19, s12, $0xb8;
	[tilespmem:$0x1D000] =	vst v63  }
0x74: {  	_ =	swait.ge [sflag:s15], $0x4000  }
0x75: {  	[sflag:s15] =	ssyncset.done $0x0  }
0x76: {  	[sflag:s15] =	ssyncadd.s32 $0xFFFFC000  }
0x77: {  	[spmem:s2] =	stream.indirect.scatter.add.f32 [tilespmem:s13], [sflag:$0x3], $0x80, s20, s12, $0xb8;
	[tilespmem:$0x1D000] =	vst v63  }
0x78: {  	_ =	swait.ge [sflag:s10], $0x4000  }
0x79: {  	[sflag:s10] =	ssyncset.done $0x0  }
0x7a: {  	[sflag:s10] =	ssyncadd.s32 $0xFFFFC000  }
0x7b: {  	[tilespmem:s13], [sflag:$0x1] =	stream.indirect.gather [hbm4b:s4+s12], $0x80, s21, s12, $0xb8;
	[tilespmem:$0x1D000] =	vst v63  }
0x7c: {  	_ =	swait.ge [sflag:s16], $0x4000  }
0x7d: {  	[sflag:s16] =	ssyncset.done $0x0  }
0x7e: {  	[sflag:s16] =	ssyncadd.s32 $0xFFFFC000  }
0x7f: {  	[spmem:s2] =	stream.indirect.scatter.add.f32 [tilespmem:s14], [sflag:$0x3], $0x80, s22, s12, $0xb8;
	[tilespmem:$0x1D000] =	vst v63  }
0x80: {  	_ =	swait.ge [sflag:s10], $0x4000  }
0x81: {  	[sflag:s10] =	ssyncset.done $0x0  }
0x82: {  	[sflag:s10] =	ssyncadd.s32 $0xFFFFC000  }
0x83: {  	[tilespmem:s14], [sflag:$0x2] =	stream.indirect.gather [hbm4b:s4+s12], $0x80, s23, s12, $0xb8;
	[tilespmem:$0x1D000] =	vst v63  }
0x84: {  	_ =	swait.ge [sflag:s15], $0x4000  }
0x85: {  	[sflag:s15] =	ssyncset.done $0x0  }
0x86: {  	[sflag:s15] =	ssyncadd.s32 $0xFFFFC000  }
0x87: {  	[spmem:s2] =	stream.indirect.scatter.add.f32 [tilespmem:s13], [sflag:$0x3], $0x80, s24, s12, $0xb8;
	[tilespmem:$0x1D000] =	vst v63  }
0x88: {  	_ =	swait.ge [sflag:s10], $0x4000  }
0x89: {  	[sflag:s10] =	ssyncset.done $0x0  }
0x8a: {  	[sflag:s10] =	ssyncadd.s32 $0xFFFFC000  }
0x8b: {  	[tilespmem:s13], [sflag:$0x1] =	stream.indirect.gather [hbm4b:s4+s12], $0x80, s25, s12, $0xb8;
	[tilespmem:$0x1D000] =	vst v63  }
0x8c: {  	_ =	swait.ge [sflag:s16], $0x4000  }
0x8d: {  	[sflag:s16] =	ssyncset.done $0x0  }
0x8e: {  	[sflag:s16] =	ssyncadd.s32 $0xFFFFC000  }
0x8f: {  	[spmem:s2] =	stream.indirect.scatter.add.f32 [tilespmem:s14], [sflag:$0x3], $0x80, s26, s12, $0xb8;
	[tilespmem:$0x1D000] =	vst v63  }
0x90: {  	_ =	swait.ge [sflag:s10], $0x4000  }
0x91: {  	[sflag:s10] =	ssyncset.done $0x0  }
0x92: {  	[sflag:s10] =	ssyncadd.s32 $0xFFFFC000  }
0x93: {  	[tilespmem:s14], [sflag:$0x2] =	stream.indirect.gather [hbm4b:s4+s12], $0x80, s28, s12, $0xb8;
	[tilespmem:$0x1D000] =	vst v63  }
0x94: {  	_ =	swait.ge [sflag:s15], $0x4000  }
0x95: {  	[sflag:s15] =	ssyncset.done $0x0  }
0x96: {  	[sflag:s15] =	ssyncadd.s32 $0xFFFFC000  }
0x97: {  	[spmem:s2] =	stream.indirect.scatter.add.f32 [tilespmem:s13], [sflag:$0x3], $0x80, s29, s12, $0xb8;
	[tilespmem:$0x1D000] =	vst v63  }
0x98: {  	_ =	swait.ge [sflag:s10], $0x4000  }
0x99: {  	[sflag:s10] =	ssyncset.done $0x0  }
0x9a: {  	[sflag:s10] =	ssyncadd.s32 $0xFFFFC000  }
0x9b: {  	[tilespmem:s13], [sflag:$0x1] =	stream.indirect.gather [hbm4b:s4+s12], $0x80, s30, s12, $0xb8;
	[tilespmem:$0x1D000] =	vst v63  }
0x9c: {  	_ =	swait.ge [sflag:s16], $0x4000  }
0x9d: {  	[sflag:s16] =	ssyncset.done $0x0  }
0x9e: {  	[sflag:s16] =	ssyncadd.s32 $0xFFFFC000  }
0x9f: {  	[spmem:s2] =	stream.indirect.scatter.add.f32 [tilespmem:s14], [sflag:$0x3], $0x80, s31, s12, $0xb8;
	[tilespmem:$0x1D000] =	vst v63  }
0xa0: {  	_ =	swait.ge [sflag:s10], $0x4000  }
0xa1: {  	[sflag:s10] =	ssyncset.done $0x0  }
0xa2: {  	[sflag:s10] =	ssyncadd.s32 $0xFFFFC000  }
0xa3: {  	[tilespmem:s14], [sflag:$0x2] =	stream.indirect.gather [hbm4b:s4+s12], $0x80, s1, s12, $0xb8;
	[tilespmem:$0x1D000] =	vst v63  }
0xa4: {  	_ =	swait.ge [sflag:s15], $0x4000  }
0xa5: {  	[sflag:s15] =	ssyncset.done $0x0  }
0xa6: {  	[sflag:s15] =	ssyncadd.s32 $0xFFFFC000  }
0xa7: {  	[spmem:s2] =	stream.indirect.scatter.add.f32 [tilespmem:s13], [sflag:$0x3], $0x80, s0, s12, $0xb8;
	[tilespmem:$0x1D000] =	vst v63  }
0xa8: {  	_ =	swait.ge [sflag:s10], $0x4000  }
0xa9: {  	[sflag:s10] =	ssyncset.done $0x0  }
0xaa: {  	[sflag:s10] =	ssyncadd.s32 $0xFFFFC000  }
0xab: {  	_ =	swait.ge [sflag:s16], $0x4000  }
0xac: {  	[sflag:s16] =	ssyncset.done $0x0  }
0xad: {  	[sflag:s16] =	ssyncadd.s32 $0xFFFFC000  }
0xae: {  	[spmem:s2] =	stream.indirect.scatter.add.f32 [tilespmem:s14], [sflag:$0x3], $0x80, s5, s12, $0xb8;
	[tilespmem:$0x1D000] =	vst v63  }
0xaf: {  	s6 =	simm.s32 $0x200;
	_ =	swait.ge [sflag:s10], $0x4000  }
0xb0: {  	s8 =	simm.s32 $0x100;
	s9 =	rddreg [dreg:$0x5];
	[sflag:s10] =	ssyncset.done $0x0  }
.LBB2_2:
0xb1: {  	[sflag:s10] =	ssyncadd.s32 $0xFFFFC000;
	s9 =	sadd.s32 s8, s9  }
0xb2: {  	[tilespmem:s3], [sflag:$0x3] =	stream.linear.gather [hbm4b:s9+s3], $0x800, $0x38;
	[tilespmem:$0x1D000] =	vst v63  }
0xb3: {  	_ =	swait.ge [sflag:s10], $0x800  }
0xb4: {  	s9 =	rddreg [dreg:$0x4];
	[sflag:s10] =	ssyncset.done $0x0  }
0xb5: {  	[sflag:s10] =	ssyncadd.s32 $0xFFFFF800;
	s9 =	sadd.s32 s8, s9  }
0xb6: {  	[tilespmem:s11], [sflag:$0x3] =	stream.linear.gather [hbm4b:s9+s3], $0x800, $0x38;
	[tilespmem:$0x1D000] =	vst v63  }
0xb7: {  	_ =	swait.ge [sflag:s10], $0x800  }
0xb8: {  	[sflag:s10] =	ssyncset.done $0x0  }
0xb9: {  	[sflag:s10] =	ssyncadd.s32 $0xFFFFF800  }
0xba: {  	[tilespmem:s13], [sflag:$0x1] =	stream.indirect.gather [hbm4b:s4+s12], $0x80, s3, s12, $0xb8;
	[tilespmem:$0x1D000] =	vst v63  }
0xbb: {  	_ = 	snop  }
0xbc: {  	[tilespmem:s14], [sflag:$0x2] =	stream.indirect.gather [hbm4b:s4+s12], $0x80, s12, s12, $0xb8;
	[tilespmem:$0x1D000] =	vst v63  }
0xbd: {  	_ =	swait.ge [sflag:s15], $0x4000  }
0xbe: {  	[sflag:s15] =	ssyncset.done $0x0  }
0xbf: {  	[sflag:s15] =	ssyncadd.s32 $0xFFFFC000  }
0xc0: {  	[spmem:s2] =	stream.indirect.scatter.add.f32 [tilespmem:s13], [sflag:$0x3], $0x80, s11, s12, $0xb8;
	[tilespmem:$0x1D000] =	vst v63  }
0xc1: {  	_ =	swait.ge [sflag:s10], $0x4000  }
0xc2: {  	[sflag:s10] =	ssyncset.done $0x0  }
0xc3: {  	s9 =	rddreg [dreg:$0x6];
	[sflag:s10] =	ssyncadd.s32 $0xFFFFC000  }
0xc4: {  	[tilespmem:s13], [sflag:$0x1] =	stream.indirect.gather [hbm4b:s4+s12], $0x80, s9, s12, $0xb8;
	[tilespmem:$0x1D000] =	vst v63  }
0xc5: {  	_ =	swait.ge [sflag:s16], $0x4000  }
0xc6: {  	[sflag:s16] =	ssyncset.done $0x0  }
0xc7: {  	s9 =	rddreg [dreg:$0x7];
	[sflag:s16] =	ssyncadd.s32 $0xFFFFC000  }
0xc8: {  	[spmem:s2] =	stream.indirect.scatter.add.f32 [tilespmem:s14], [sflag:$0x3], $0x80, s9, s12, $0xb8;
	[tilespmem:$0x1D000] =	vst v63  }
0xc9: {  	_ =	swait.ge [sflag:s10], $0x4000  }
0xca: {  	[sflag:s10] =	ssyncset.done $0x0  }
0xcb: {  	s9 =	rddreg [dreg:$0x8];
	[sflag:s10] =	ssyncadd.s32 $0xFFFFC000  }
0xcc: {  	[tilespmem:s14], [sflag:$0x2] =	stream.indirect.gather [hbm4b:s4+s12], $0x80, s9, s12, $0xb8;
	[tilespmem:$0x1D000] =	vst v63  }
0xcd: {  	_ =	swait.ge [sflag:s15], $0x4000  }
0xce: {  	[sflag:s15] =	ssyncset.done $0x0  }
0xcf: {  	s9 =	rddreg [dreg:$0x9];
	[sflag:s15] =	ssyncadd.s32 $0xFFFFC000  }
0xd0: {  	[spmem:s2] =	stream.indirect.scatter.add.f32 [tilespmem:s13], [sflag:$0x3], $0x80, s9, s12, $0xb8;
	[tilespmem:$0x1D000] =	vst v63  }
0xd1: {  	_ =	swait.ge [sflag:s10], $0x4000  }
0xd2: {  	[sflag:s10] =	ssyncset.done $0x0  }
0xd3: {  	s9 =	rddreg [dreg:$0xa];
	[sflag:s10] =	ssyncadd.s32 $0xFFFFC000  }
0xd4: {  	[tilespmem:s13], [sflag:$0x1] =	stream.indirect.gather [hbm4b:s4+s12], $0x80, s9, s12, $0xb8;
	[tilespmem:$0x1D000] =	vst v63  }
0xd5: {  	_ =	swait.ge [sflag:s16], $0x4000  }
0xd6: {  	[sflag:s16] =	ssyncset.done $0x0  }
0xd7: {  	s9 =	rddreg [dreg:$0xb];
	[sflag:s16] =	ssyncadd.s32 $0xFFFFC000  }
0xd8: {  	[spmem:s2] =	stream.indirect.scatter.add.f32 [tilespmem:s14], [sflag:$0x3], $0x80, s9, s12, $0xb8;
	[tilespmem:$0x1D000] =	vst v63  }
0xd9: {  	_ =	swait.ge [sflag:s10], $0x4000  }
0xda: {  	[sflag:s10] =	ssyncset.done $0x0  }
0xdb: {  	s9 =	rddreg [dreg:$0xc];
	[sflag:s10] =	ssyncadd.s32 $0xFFFFC000  }
0xdc: {  	[tilespmem:s14], [sflag:$0x2] =	stream.indirect.gather [hbm4b:s4+s12], $0x80, s9, s12, $0xb8;
	[tilespmem:$0x1D000] =	vst v63  }
0xdd: {  	_ =	swait.ge [sflag:s15], $0x4000  }
0xde: {  	[sflag:s15] =	ssyncset.done $0x0  }
0xdf: {  	s9 =	rddreg [dreg:$0xd];
	[sflag:s15] =	ssyncadd.s32 $0xFFFFC000  }
0xe0: {  	[spmem:s2] =	stream.indirect.scatter.add.f32 [tilespmem:s13], [sflag:$0x3], $0x80, s9, s12, $0xb8;
	[tilespmem:$0x1D000] =	vst v63  }
0xe1: {  	_ =	swait.ge [sflag:s10], $0x4000  }
0xe2: {  	[sflag:s10] =	ssyncset.done $0x0  }
0xe3: {  	s9 =	rddreg [dreg:$0xe];
	[sflag:s10] =	ssyncadd.s32 $0xFFFFC000  }
0xe4: {  	[tilespmem:s13], [sflag:$0x1] =	stream.indirect.gather [hbm4b:s4+s12], $0x80, s9, s12, $0xb8;
	[tilespmem:$0x1D000] =	vst v63  }
0xe5: {  	_ =	swait.ge [sflag:s16], $0x4000  }
0xe6: {  	[sflag:s16] =	ssyncset.done $0x0  }
0xe7: {  	s9 =	rddreg [dreg:$0xf];
	[sflag:s16] =	ssyncadd.s32 $0xFFFFC000  }
0xe8: {  	[spmem:s2] =	stream.indirect.scatter.add.f32 [tilespmem:s14], [sflag:$0x3], $0x80, s9, s12, $0xb8;
	[tilespmem:$0x1D000] =	vst v63  }
0xe9: {  	_ =	swait.ge [sflag:s10], $0x4000  }
0xea: {  	[sflag:s10] =	ssyncset.done $0x0  }
0xeb: {  	s9 =	rddreg [dreg:$0x10];
	[sflag:s10] =	ssyncadd.s32 $0xFFFFC000  }
0xec: {  	[tilespmem:s14], [sflag:$0x2] =	stream.indirect.gather [hbm4b:s4+s12], $0x80, s9, s12, $0xb8;
	[tilespmem:$0x1D000] =	vst v63  }
0xed: {  	_ =	swait.ge [sflag:s15], $0x4000  }
0xee: {  	[sflag:s15] =	ssyncset.done $0x0  }
0xef: {  	s9 =	rddreg [dreg:$0x11];
	[sflag:s15] =	ssyncadd.s32 $0xFFFFC000  }
0xf0: {  	[spmem:s2] =	stream.indirect.scatter.add.f32 [tilespmem:s13], [sflag:$0x3], $0x80, s9, s12, $0xb8;
	[tilespmem:$0x1D000] =	vst v63  }
0xf1: {  	_ =	swait.ge [sflag:s10], $0x4000  }
0xf2: {  	[sflag:s10] =	ssyncset.done $0x0  }
0xf3: {  	[sflag:s10] =	ssyncadd.s32 $0xFFFFC000  }
0xf4: {  	[tilespmem:s13], [sflag:$0x1] =	stream.indirect.gather [hbm4b:s4+s12], $0x80, s17, s12, $0xb8;
	[tilespmem:$0x1D000] =	vst v63  }
0xf5: {  	_ =	swait.ge [sflag:s16], $0x4000  }
0xf6: {  	[sflag:s16] =	ssyncset.done $0x0  }
0xf7: {  	[sflag:s16] =	ssyncadd.s32 $0xFFFFC000  }
0xf8: {  	[spmem:s2] =	stream.indirect.scatter.add.f32 [tilespmem:s14], [sflag:$0x3], $0x80, s18, s12, $0xb8;
	[tilespmem:$0x1D000] =	vst v63  }
0xf9: {  	_ =	swait.ge [sflag:s10], $0x4000  }
0xfa: {  	[sflag:s10] =	ssyncset.done $0x0  }
0xfb: {  	[sflag:s10] =	ssyncadd.s32 $0xFFFFC000  }
0xfc: {  	[tilespmem:s14], [sflag:$0x2] =	stream.indirect.gather [hbm4b:s4+s12], $0x80, s19, s12, $0xb8;
	[tilespmem:$0x1D000] =	vst v63  }
0xfd: {  	_ =	swait.ge [sflag:s15], $0x4000  }
0xfe: {  	[sflag:s15] =	ssyncset.done $0x0  }
0xff: {  	[sflag:s15] =	ssyncadd.s32 $0xFFFFC000  }
0x100: {  	[spmem:s2] =	stream.indirect.scatter.add.f32 [tilespmem:s13], [sflag:$0x3], $0x80, s20, s12, $0xb8;
	[tilespmem:$0x1D000] =	vst v63  }
0x101: {  	_ =	swait.ge [sflag:s10], $0x4000  }
0x102: {  	[sflag:s10] =	ssyncset.done $0x0  }
0x103: {  	[sflag:s10] =	ssyncadd.s32 $0xFFFFC000  }
0x104: {  	[tilespmem:s13], [sflag:$0x1] =	stream.indirect.gather [hbm4b:s4+s12], $0x80, s21, s12, $0xb8;
	[tilespmem:$0x1D000] =	vst v63  }
0x105: {  	_ =	swait.ge [sflag:s16], $0x4000  }
0x106: {  	[sflag:s16] =	ssyncset.done $0x0  }
0x107: {  	[sflag:s16] =	ssyncadd.s32 $0xFFFFC000  }
0x108: {  	[spmem:s2] =	stream.indirect.scatter.add.f32 [tilespmem:s14], [sflag:$0x3], $0x80, s22, s12, $0xb8;
	[tilespmem:$0x1D000] =	vst v63  }
0x109: {  	_ =	swait.ge [sflag:s10], $0x4000  }
0x10a: {  	[sflag:s10] =	ssyncset.done $0x0  }
0x10b: {  	[sflag:s10] =	ssyncadd.s32 $0xFFFFC000  }
0x10c: {  	[tilespmem:s14], [sflag:$0x2] =	stream.indirect.gather [hbm4b:s4+s12], $0x80, s23, s12, $0xb8;
	[tilespmem:$0x1D000] =	vst v63  }
0x10d: {  	_ =	swait.ge [sflag:s15], $0x4000  }
0x10e: {  	[sflag:s15] =	ssyncset.done $0x0  }
0x10f: {  	[sflag:s15] =	ssyncadd.s32 $0xFFFFC000  }
0x110: {  	[spmem:s2] =	stream.indirect.scatter.add.f32 [tilespmem:s13], [sflag:$0x3], $0x80, s24, s12, $0xb8;
	[tilespmem:$0x1D000] =	vst v63  }
0x111: {  	_ =	swait.ge [sflag:s10], $0x4000  }
0x112: {  	[sflag:s10] =	ssyncset.done $0x0  }
0x113: {  	[sflag:s10] =	ssyncadd.s32 $0xFFFFC000  }
0x114: {  	[tilespmem:s13], [sflag:$0x1] =	stream.indirect.gather [hbm4b:s4+s12], $0x80, s25, s12, $0xb8;
	[tilespmem:$0x1D000] =	vst v63  }
0x115: {  	_ =	swait.ge [sflag:s16], $0x4000  }
0x116: {  	[sflag:s16] =	ssyncset.done $0x0  }
0x117: {  	[sflag:s16] =	ssyncadd.s32 $0xFFFFC000  }
0x118: {  	[spmem:s2] =	stream.indirect.scatter.add.f32 [tilespmem:s14], [sflag:$0x3], $0x80, s26, s12, $0xb8;
	[tilespmem:$0x1D000] =	vst v63  }
0x119: {  	_ =	swait.ge [sflag:s10], $0x4000  }
0x11a: {  	[sflag:s10] =	ssyncset.done $0x0  }
0x11b: {  	[sflag:s10] =	ssyncadd.s32 $0xFFFFC000  }
0x11c: {  	[tilespmem:s14], [sflag:$0x2] =	stream.indirect.gather [hbm4b:s4+s12], $0x80, s28, s12, $0xb8;
	[tilespmem:$0x1D000] =	vst v63  }
0x11d: {  	_ =	swait.ge [sflag:s15], $0x4000  }
0x11e: {  	[sflag:s15] =	ssyncset.done $0x0  }
0x11f: {  	[sflag:s15] =	ssyncadd.s32 $0xFFFFC000  }
0x120: {  	[spmem:s2] =	stream.indirect.scatter.add.f32 [tilespmem:s13], [sflag:$0x3], $0x80, s29, s12, $0xb8;
	[tilespmem:$0x1D000] =	vst v63  }
0x121: {  	_ =	swait.ge [sflag:s10], $0x4000  }
0x122: {  	[sflag:s10] =	ssyncset.done $0x0  }
0x123: {  	[sflag:s10] =	ssyncadd.s32 $0xFFFFC000  }
0x124: {  	[tilespmem:s13], [sflag:$0x1] =	stream.indirect.gather [hbm4b:s4+s12], $0x80, s30, s12, $0xb8;
	[tilespmem:$0x1D000] =	vst v63  }
0x125: {  	_ =	swait.ge [sflag:s16], $0x4000  }
0x126: {  	[sflag:s16] =	ssyncset.done $0x0  }
0x127: {  	[sflag:s16] =	ssyncadd.s32 $0xFFFFC000  }
0x128: {  	[spmem:s2] =	stream.indirect.scatter.add.f32 [tilespmem:s14], [sflag:$0x3], $0x80, s31, s12, $0xb8;
	[tilespmem:$0x1D000] =	vst v63  }
0x129: {  	_ =	swait.ge [sflag:s10], $0x4000  }
0x12a: {  	[sflag:s10] =	ssyncset.done $0x0  }
0x12b: {  	[sflag:s10] =	ssyncadd.s32 $0xFFFFC000  }
0x12c: {  	[tilespmem:s14], [sflag:$0x2] =	stream.indirect.gather [hbm4b:s4+s12], $0x80, s1, s12, $0xb8;
	[tilespmem:$0x1D000] =	vst v63  }
0x12d: {  	_ =	swait.ge [sflag:s15], $0x4000  }
0x12e: {  	[sflag:s15] =	ssyncset.done $0x0  }
0x12f: {  	[sflag:s15] =	ssyncadd.s32 $0xFFFFC000  }
0x130: {  	[spmem:s2] =	stream.indirect.scatter.add.f32 [tilespmem:s13], [sflag:$0x3], $0x80, s0, s12, $0xb8;
	[tilespmem:$0x1D000] =	vst v63  }
0x131: {  	_ =	swait.ge [sflag:s10], $0x4000  }
0x132: {  	[sflag:s10] =	ssyncset.done $0x0  }
0x133: {  	[sflag:s10] =	ssyncadd.s32 $0xFFFFC000  }
0x134: {  	p0 =	sne.s32 s6, $0x400;
	_ =	swait.ge [sflag:s16], $0x4000  }
.Ltmp0:
0x135: {  	[sflag:s16] =	ssyncset.done $0x0;
	(pc) =	sbr.rel @p0 .LBB2_2-.Ltmp0, $4  }
0x136: {  	[sflag:s16] =	ssyncadd.s32 $0xFFFFC000  }
0x137: {  	[spmem:s2] =	stream.indirect.scatter.add.f32 [tilespmem:s14], [sflag:$0x3], $0x80, s5, s12, $0xb8;
	[tilespmem:$0x1D000] =	vst v63  }
0x138: {  	s7 =	smov.u32 s6;
	s6 =	sadd.s32 $0x100, s6;
	_ =	swait.ge [sflag:s10], $0x4000  }
0x139: {  	s8 =	smov.u32 s7;
	s9 =	rddreg [dreg:$0x5];
	[sflag:s10] =	ssyncset.done $0x0  }
0x13a: {  	[sflag:s10] =	ssyncadd.s32 $0xFFFFC000;
	s6 =	sadd.s32 s8, s9  }
0x13b: {  	[tilespmem:s3], [sflag:$0x3] =	stream.linear.gather [hbm4b:s6+s3], $0x800, $0x38;
	[tilespmem:$0x1D000] =	vst v63  }
0x13c: {  	_ =	swait.ge [sflag:s10], $0x800  }
0x13d: {  	s7 =	rddreg [dreg:$0x4];
	[sflag:s10] =	ssyncset.done $0x0  }
0x13e: {  	s6 =	sadd.s32 s8, s7;
	[sflag:s10] =	ssyncadd.s32 $0xFFFFF800  }
0x13f: {  	[tilespmem:s11], [sflag:$0x3] =	stream.linear.gather [hbm4b:s6+s3], $0x800, $0x38;
	[tilespmem:$0x1D000] =	vst v63  }
0x140: {  	_ =	swait.ge [sflag:s10], $0x800  }
0x141: {  	[sflag:s10] =	ssyncset.done $0x0  }
0x142: {  	[sflag:s10] =	ssyncadd.s32 $0xFFFFF800  }
0x143: {  	[tilespmem:s13], [sflag:$0x1] =	stream.indirect.gather [hbm4b:s4+s12], $0x80, s3, s12, $0xb8;
	[tilespmem:$0x1D000] =	vst v63  }
0x144: {  	_ = 	snop  }
0x145: {  	[tilespmem:s14], [sflag:$0x2] =	stream.indirect.gather [hbm4b:s4+s12], $0x80, s12, s12, $0xb8;
	[tilespmem:$0x1D000] =	vst v63  }
0x146: {  	_ =	swait.ge [sflag:s15], $0x4000  }
0x147: {  	[sflag:s15] =	ssyncset.done $0x0  }
0x148: {  	[sflag:s15] =	ssyncadd.s32 $0xFFFFC000  }
0x149: {  	[spmem:s2] =	stream.indirect.scatter.add.f32 [tilespmem:s13], [sflag:$0x3], $0x80, s11, s12, $0xb8;
	[tilespmem:$0x1D000] =	vst v63  }
0x14a: {  	_ =	swait.ge [sflag:s10], $0x4000  }
0x14b: {  	[sflag:s10] =	ssyncset.done $0x0  }
0x14c: {  	s9 =	rddreg [dreg:$0x6];
	[sflag:s10] =	ssyncadd.s32 $0xFFFFC000  }
0x14d: {  	[tilespmem:s13], [sflag:$0x1] =	stream.indirect.gather [hbm4b:s4+s12], $0x80, s9, s12, $0xb8;
	[tilespmem:$0x1D000] =	vst v63  }
0x14e: {  	_ =	swait.ge [sflag:s16], $0x4000  }
0x14f: {  	[sflag:s16] =	ssyncset.done $0x0  }
0x150: {  	s7 =	rddreg [dreg:$0x7];
	[sflag:s16] =	ssyncadd.s32 $0xFFFFC000  }
0x151: {  	[spmem:s2] =	stream.indirect.scatter.add.f32 [tilespmem:s14], [sflag:$0x3], $0x80, s7, s12, $0xb8;
	[tilespmem:$0x1D000] =	vst v63  }
0x152: {  	_ =	swait.ge [sflag:s10], $0x4000  }
0x153: {  	[sflag:s10] =	ssyncset.done $0x0  }
0x154: {  	s8 =	rddreg [dreg:$0x8];
	[sflag:s10] =	ssyncadd.s32 $0xFFFFC000  }
0x155: {  	[tilespmem:s14], [sflag:$0x2] =	stream.indirect.gather [hbm4b:s4+s12], $0x80, s8, s12, $0xb8;
	[tilespmem:$0x1D000] =	vst v63  }
0x156: {  	_ =	swait.ge [sflag:s15], $0x4000  }
0x157: {  	[sflag:s15] =	ssyncset.done $0x0  }
0x158: {  	s9 =	rddreg [dreg:$0x9];
	[sflag:s15] =	ssyncadd.s32 $0xFFFFC000  }
0x159: {  	[spmem:s2] =	stream.indirect.scatter.add.f32 [tilespmem:s13], [sflag:$0x3], $0x80, s9, s12, $0xb8;
	[tilespmem:$0x1D000] =	vst v63  }
0x15a: {  	_ =	swait.ge [sflag:s10], $0x4000  }
0x15b: {  	[sflag:s10] =	ssyncset.done $0x0  }
0x15c: {  	s7 =	rddreg [dreg:$0xa];
	[sflag:s10] =	ssyncadd.s32 $0xFFFFC000  }
0x15d: {  	[tilespmem:s13], [sflag:$0x1] =	stream.indirect.gather [hbm4b:s4+s12], $0x80, s7, s12, $0xb8;
	[tilespmem:$0x1D000] =	vst v63  }
0x15e: {  	_ =	swait.ge [sflag:s16], $0x4000  }
0x15f: {  	[sflag:s16] =	ssyncset.done $0x0  }
0x160: {  	s8 =	rddreg [dreg:$0xb];
	[sflag:s16] =	ssyncadd.s32 $0xFFFFC000  }
0x161: {  	[spmem:s2] =	stream.indirect.scatter.add.f32 [tilespmem:s14], [sflag:$0x3], $0x80, s8, s12, $0xb8;
	[tilespmem:$0x1D000] =	vst v63  }
0x162: {  	_ =	swait.ge [sflag:s10], $0x4000  }
0x163: {  	[sflag:s10] =	ssyncset.done $0x0  }
0x164: {  	s9 =	rddreg [dreg:$0xc];
	[sflag:s10] =	ssyncadd.s32 $0xFFFFC000  }
0x165: {  	[tilespmem:s14], [sflag:$0x2] =	stream.indirect.gather [hbm4b:s4+s12], $0x80, s9, s12, $0xb8;
	[tilespmem:$0x1D000] =	vst v63  }
0x166: {  	_ =	swait.ge [sflag:s15], $0x4000  }
0x167: {  	[sflag:s15] =	ssyncset.done $0x0  }
0x168: {  	s7 =	rddreg [dreg:$0xd];
	[sflag:s15] =	ssyncadd.s32 $0xFFFFC000  }
0x169: {  	[spmem:s2] =	stream.indirect.scatter.add.f32 [tilespmem:s13], [sflag:$0x3], $0x80, s7, s12, $0xb8;
	[tilespmem:$0x1D000] =	vst v63  }
0x16a: {  	_ =	swait.ge [sflag:s10], $0x4000  }
0x16b: {  	[sflag:s10] =	ssyncset.done $0x0  }
0x16c: {  	s8 =	rddreg [dreg:$0xe];
	[sflag:s10] =	ssyncadd.s32 $0xFFFFC000  }
0x16d: {  	[tilespmem:s13], [sflag:$0x1] =	stream.indirect.gather [hbm4b:s4+s12], $0x80, s8, s12, $0xb8;
	[tilespmem:$0x1D000] =	vst v63  }
0x16e: {  	_ =	swait.ge [sflag:s16], $0x4000  }
0x16f: {  	[sflag:s16] =	ssyncset.done $0x0  }
0x170: {  	s9 =	rddreg [dreg:$0xf];
	[sflag:s16] =	ssyncadd.s32 $0xFFFFC000  }
0x171: {  	[spmem:s2] =	stream.indirect.scatter.add.f32 [tilespmem:s14], [sflag:$0x3], $0x80, s9, s12, $0xb8;
	[tilespmem:$0x1D000] =	vst v63  }
0x172: {  	_ =	swait.ge [sflag:s10], $0x4000  }
0x173: {  	[sflag:s10] =	ssyncset.done $0x0  }
0x174: {  	s7 =	rddreg [dreg:$0x10];
	[sflag:s10] =	ssyncadd.s32 $0xFFFFC000  }
0x175: {  	[tilespmem:s14], [sflag:$0x2] =	stream.indirect.gather [hbm4b:s4+s12], $0x80, s7, s12, $0xb8;
	[tilespmem:$0x1D000] =	vst v63  }
0x176: {  	_ =	swait.ge [sflag:s15], $0x4000  }
0x177: {  	[sflag:s15] =	ssyncset.done $0x0  }
0x178: {  	s8 =	rddreg [dreg:$0x11];
	[sflag:s15] =	ssyncadd.s32 $0xFFFFC000  }
0x179: {  	[spmem:s2] =	stream.indirect.scatter.add.f32 [tilespmem:s13], [sflag:$0x3], $0x80, s8, s12, $0xb8;
	[tilespmem:$0x1D000] =	vst v63  }
0x17a: {  	_ =	swait.ge [sflag:s10], $0x4000  }
0x17b: {  	[sflag:s10] =	ssyncset.done $0x0  }
0x17c: {  	[sflag:s10] =	ssyncadd.s32 $0xFFFFC000  }
0x17d: {  	[tilespmem:s13], [sflag:$0x1] =	stream.indirect.gather [hbm4b:s4+s12], $0x80, s17, s12, $0xb8;
	[tilespmem:$0x1D000] =	vst v63  }
0x17e: {  	_ =	swait.ge [sflag:s16], $0x4000  }
0x17f: {  	[sflag:s16] =	ssyncset.done $0x0  }
0x180: {  	[sflag:s16] =	ssyncadd.s32 $0xFFFFC000  }
0x181: {  	[spmem:s2] =	stream.indirect.scatter.add.f32 [tilespmem:s14], [sflag:$0x3], $0x80, s18, s12, $0xb8;
	[tilespmem:$0x1D000] =	vst v63  }
0x182: {  	_ =	swait.ge [sflag:s10], $0x4000  }
0x183: {  	[sflag:s10] =	ssyncset.done $0x0  }
0x184: {  	[sflag:s10] =	ssyncadd.s32 $0xFFFFC000  }
0x185: {  	[tilespmem:s14], [sflag:$0x2] =	stream.indirect.gather [hbm4b:s4+s12], $0x80, s19, s12, $0xb8;
	[tilespmem:$0x1D000] =	vst v63  }
0x186: {  	_ =	swait.ge [sflag:s15], $0x4000  }
0x187: {  	[sflag:s15] =	ssyncset.done $0x0  }
0x188: {  	[sflag:s15] =	ssyncadd.s32 $0xFFFFC000  }
0x189: {  	[spmem:s2] =	stream.indirect.scatter.add.f32 [tilespmem:s13], [sflag:$0x3], $0x80, s20, s12, $0xb8;
	[tilespmem:$0x1D000] =	vst v63  }
0x18a: {  	_ =	swait.ge [sflag:s10], $0x4000  }
0x18b: {  	[sflag:s10] =	ssyncset.done $0x0  }
0x18c: {  	[sflag:s10] =	ssyncadd.s32 $0xFFFFC000  }
0x18d: {  	[tilespmem:s13], [sflag:$0x1] =	stream.indirect.gather [hbm4b:s4+s12], $0x80, s21, s12, $0xb8;
	[tilespmem:$0x1D000] =	vst v63  }
0x18e: {  	_ =	swait.ge [sflag:s16], $0x4000  }
0x18f: {  	[sflag:s16] =	ssyncset.done $0x0  }
0x190: {  	[sflag:s16] =	ssyncadd.s32 $0xFFFFC000  }
0x191: {  	[spmem:s2] =	stream.indirect.scatter.add.f32 [tilespmem:s14], [sflag:$0x3], $0x80, s22, s12, $0xb8;
	[tilespmem:$0x1D000] =	vst v63  }
0x192: {  	_ =	swait.ge [sflag:s10], $0x4000  }
0x193: {  	[sflag:s10] =	ssyncset.done $0x0  }
0x194: {  	[sflag:s10] =	ssyncadd.s32 $0xFFFFC000  }
0x195: {  	[tilespmem:s14], [sflag:$0x2] =	stream.indirect.gather [hbm4b:s4+s12], $0x80, s23, s12, $0xb8;
	[tilespmem:$0x1D000] =	vst v63  }
0x196: {  	_ =	swait.ge [sflag:s15], $0x4000  }
0x197: {  	[sflag:s15] =	ssyncset.done $0x0  }
0x198: {  	[sflag:s15] =	ssyncadd.s32 $0xFFFFC000  }
0x199: {  	[spmem:s2] =	stream.indirect.scatter.add.f32 [tilespmem:s13], [sflag:$0x3], $0x80, s24, s12, $0xb8;
	[tilespmem:$0x1D000] =	vst v63  }
0x19a: {  	_ =	swait.ge [sflag:s10], $0x4000  }
0x19b: {  	[sflag:s10] =	ssyncset.done $0x0  }
0x19c: {  	[sflag:s10] =	ssyncadd.s32 $0xFFFFC000  }
0x19d: {  	[tilespmem:s13], [sflag:$0x1] =	stream.indirect.gather [hbm4b:s4+s12], $0x80, s25, s12, $0xb8;
	[tilespmem:$0x1D000] =	vst v63  }
0x19e: {  	_ =	swait.ge [sflag:s16], $0x4000  }
0x19f: {  	[sflag:s16] =	ssyncset.done $0x0  }
0x1a0: {  	[sflag:s16] =	ssyncadd.s32 $0xFFFFC000  }
0x1a1: {  	[spmem:s2] =	stream.indirect.scatter.add.f32 [tilespmem:s14], [sflag:$0x3], $0x80, s26, s12, $0xb8;
	[tilespmem:$0x1D000] =	vst v63  }
0x1a2: {  	_ =	swait.ge [sflag:s10], $0x4000  }
0x1a3: {  	[sflag:s10] =	ssyncset.done $0x0  }
0x1a4: {  	[sflag:s10] =	ssyncadd.s32 $0xFFFFC000  }
0x1a5: {  	[tilespmem:s14], [sflag:$0x2] =	stream.indirect.gather [hbm4b:s4+s12], $0x80, s28, s12, $0xb8;
	[tilespmem:$0x1D000] =	vst v63  }
0x1a6: {  	_ =	swait.ge [sflag:s15], $0x4000  }
0x1a7: {  	[sflag:s15] =	ssyncset.done $0x0  }
0x1a8: {  	[sflag:s15] =	ssyncadd.s32 $0xFFFFC000  }
0x1a9: {  	[spmem:s2] =	stream.indirect.scatter.add.f32 [tilespmem:s13], [sflag:$0x3], $0x80, s29, s12, $0xb8;
	[tilespmem:$0x1D000] =	vst v63  }
0x1aa: {  	_ =	swait.ge [sflag:s10], $0x4000  }
0x1ab: {  	[sflag:s10] =	ssyncset.done $0x0  }
0x1ac: {  	[sflag:s10] =	ssyncadd.s32 $0xFFFFC000  }
0x1ad: {  	[tilespmem:s13], [sflag:$0x1] =	stream.indirect.gather [hbm4b:s4+s12], $0x80, s30, s12, $0xb8;
	[tilespmem:$0x1D000] =	vst v63  }
0x1ae: {  	_ =	swait.ge [sflag:s16], $0x4000  }
0x1af: {  	[sflag:s16] =	ssyncset.done $0x0  }
0x1b0: {  	[sflag:s16] =	ssyncadd.s32 $0xFFFFC000  }
0x1b1: {  	[spmem:s2] =	stream.indirect.scatter.add.f32 [tilespmem:s14], [sflag:$0x3], $0x80, s31, s12, $0xb8;
	[tilespmem:$0x1D000] =	vst v63  }
0x1b2: {  	_ =	swait.ge [sflag:s10], $0x4000  }
0x1b3: {  	[sflag:s10] =	ssyncset.done $0x0  }
0x1b4: {  	[sflag:s10] =	ssyncadd.s32 $0xFFFFC000  }
0x1b5: {  	[tilespmem:s14], [sflag:$0x2] =	stream.indirect.gather [hbm4b:s4+s12], $0x80, s1, s12, $0xb8;
	[tilespmem:$0x1D000] =	vst v63  }
0x1b6: {  	_ =	swait.ge [sflag:s15], $0x4000  }
0x1b7: {  	[sflag:s15] =	ssyncset.done $0x0  }
0x1b8: {  	[sflag:s15] =	ssyncadd.s32 $0xFFFFC000  }
0x1b9: {  	[spmem:s2] =	stream.indirect.scatter.add.f32 [tilespmem:s13], [sflag:$0x3], $0x80, s0, s12, $0xb8;
	[tilespmem:$0x1D000] =	vst v63  }
0x1ba: {  	_ =	swait.ge [sflag:s10], $0x4000  }
0x1bb: {  	[sflag:s10] =	ssyncset.done $0x0  }
0x1bc: {  	[sflag:s10] =	ssyncadd.s32 $0xFFFFC000  }
0x1bd: {  	_ =	swait.ge [sflag:s16], $0x4000  }
0x1be: {  	[sflag:s16] =	ssyncset.done $0x0  }
0x1bf: {  	[sflag:s16] =	ssyncadd.s32 $0xFFFFC000  }
0x1c0: {  	[spmem:s2] =	stream.indirect.scatter.add.f32 [tilespmem:s14], [sflag:$0x3], $0x80, s5, s12, $0xb8;
	[tilespmem:$0x1D000] =	vst v63  }
0x1c1: {  	_ =	swait.ge [sflag:s10], $0x4000  }
0x1c2: {  	[sflag:s10] =	ssyncset.done $0x0  }
0x1c3: {  	[sflag:s10] =	ssyncadd.s32 $0xFFFFC000  }
0x1c4: {  	[spmem:s2] =	stream.indirect_vreg.scatter.add.f32 [tilespmem:s13], [sflag:$0x3], $0x80, v0, vm0, $0xb8;
	[tilespmem:$0x1D000] =	vst v63  }
0x1c5: {  	_ =	swait.ge [sflag:s10], $0x800  }
0x1c6: {  	[sflag:s10] =	ssyncset.done $0x0  }
0x1c7: {  	[sflag:s10] =	ssyncadd.s32 $0xFFFFF800  }
0x1c8: {  	[bflag:$0x0] =	sbarrier.arrive $0xFFFF  }
0x1c9: {  	_ =	sdelay $0x7ff  }
0x1ca: {  	_ =	sdelay $0x7ff  }
0x1cb: {  	_ =	sdelay $0x5ad  }
0x1cc: {  	s7 =	rddreg [dreg:$0x13]  }
0x1cd: {  	s9 =	rddreg [dreg:$0x14]  }
0x1ce: {  	s8 =	rddreg [dreg:$0x16]  }
0x1cf: {  	[hbm:s9], [sflag:s7] =	dma.local [spmem:s8], $0x2800  }
0x1d0: {  	_ =	swait.ge [sflag:s10], $0x2800  }
0x1d1: {  	s6 =	rddreg [dreg:$0x17]  }
0x1d2: {  	s9 =	sadd.s32 $0x1, s6;
	s6 =	rddreg [dreg:$0x15]  }
0x1d3: {  	p0 =	sne.s32 s9, s6  }
.Ltmp1:
0x1d4: {  	_ = 	snop;
	(pc) =	sbr.rel @p0 .LBB2_1-.Ltmp1, $3  }
0x1d5: {  	_ =	sdelay $0x1  }
0x1d6: {  	[sflag:s10] =	ssyncset.done $0x0  }
0x1d7: {  	[sflag:s10] =	ssyncadd.s32 $0xFFFFD800  }
0x1d8: {  	_ =	sfence.sel $0x180000  }
0x1d9: {  	[bflag:$0x0] =	sbarrier.arrive $0xFFFF  }
0x1da: {  	_ =	strace $0x9000004A  }
0x1db: {  	s0 =	stileid.u32;
	[bflag:$0x2] =	sbarrier.arrive $0xFFFF  }
0x1dc: {  	p0 =	sne.s32 s0, $0x0;
	s0 =	rddreg [dreg:$0x3]  }
0x1dd: {  	s0 =	sadd.s32 @!p0 $0x100000, s0  }
0x1de: {  	[sflag:s0] =	ssyncadd.tile.s32 @!p0 $0x1;
	_ =	shalt  }
.Lfunc_end2:
_tile_overlayer_lowered:
.L_overlay_start_2:
0x1df: {  	(tag) =	ssettag $0x2  }
0x1e0: {  	s0 =	rddreg [dreg:$0x0];
	s2 =	stileid.u32  }
0x1e1: {  	s1 =	rddreg [dreg:$0x1];
	p0 =	sne.s32 s2, $0x0  }
0x1e2: {  	s3 =	rddreg [dreg:$0x2];
	[bflag:$0x3] =	sbarrier.arrive $0xFFFF;
	s2 =	simm.s32 @!p0 $0x1C03  }
0x1e3: {  	[timem:s3], [sflag:s2] =	dma.local @!p0 [hbm:s0], s1  }
0x1e4: {  	s0 =	simm.s32 @!p0 $0x3  }
0x1e5: {  	_ =	swait.ge @!p0 [sflag:s0], s1  }
0x1e6: {  	s1 =	ssub.s32 @!p0 $0x0, s1;
	[sflag:s0] =	ssyncset.done @!p0 $0x0  }
0x1e7: {  	[sflag:s0] =	ssyncadd.s32 @!p0 s1  }
0x1e8: {  	[bflag:$0x3] =	sbarrier.arrive $0xFFFF  }
0x1e9: {  	_ =	shalt  }

// kernel: kernel.5.cloned.1.call-start
scs
__scs_entry_jumppad:
0x0: {  	(pc) =	sbr.rel $0x88, $3  }
0x1: {  	(tag) =	ssettag $0x0;
	lr =	simm.s32 $0x1  }
0x2: {  	[smem:$0x3F9B] =	sst lr;
	_ =	strace $0xD0000000  }
0x3: {  	_ = 	snop  }
0x4: {  	_ = 	snop  }
0x5: {  	_ = 	snop  }
0x6: {  	_ = 	snop  }
0x7: {  	_ = 	snop  }
__scs_overlays_trampoline_lowered:
0x8: {  	[smem:$0x3FAA] =	sst s0  }
0x9: {  	[smem:$0x3FAB] =	sst s1  }
0xa: {  	[smem:$0x3FAC] =	sst s2  }
0xb: {  	[smem:$0x3FAD] =	sst s3  }
0xc: {  	[smem:$0x3FAE] =	sst s4  }
0xd: {  	[smem:$0x3FAF] =	sst s5  }
0xe: {  	[smem:$0x3FB0] =	sst s6  }
0xf: {  	[smem:$0x3FB1] =	sst s7  }
0x10: {  	[smem:$0x3FB2] =	sst s8  }
0x11: {  	[smem:$0x3FB3] =	sst s9;
	s0 =	simm.s32 @!p0 $0x0  }
0x12: {  	s1 =	sld [smem:$0x3F99];
	s0 =	simm.s32 @p0 $0x1  }
0x13: {  	[smem:$0x3FB4] =	sst s0;
	s0 =	simm.s32 @!p1 $0x0  }
0x14: {  	s2 =	sld [smem:$0x3F98];
	s0 =	simm.s32 @p1 $0x1  }
0x15: {  	[smem:$0x3FB5] =	sst s0;
	s0 =	simm.s32 @!p2 $0x0  }
0x16: {  	s3 =	sld [smem:$0x3FDB];
	s0 =	simm.s32 @p2 $0x1  }
0x17: {  	s4 =	simm.s32 $0x1BF5;
	[smem:$0x3FB7] =	sst s0  }
0x18: {  	s0 =	sld [smem:$0x3F9A];
	_ =	swait.ge [sflag:s4], $0x0  }
0x19: {  	s7 =	sld [smem:$0x3F9B]  }
0x1a: {  	s8 =	sadd.s32 $0xFFFFE003, lr  }
0x1b: {  	s9 =	sadd.s32 $0xFFFFFEF7, lr;
	s5 =	simm.s32 $0xFFFFFFFF;
	p2 =	slt.u32 s8, $0xFFFFF086  }
0x1c: {  	p1 =	slt.u32 s9, $0xF7A;
	s5 =	simm.s32 @!p2 $0x0  }
0x1d: {  	s5 =	simm.s32 @p1 $0x1;
	p0 =	seq.s32 s7, s2  }
0x1e: {  	s7 =	smul.u32 @!p0 $0xF7A, s2;
	p2 =	seq.s32 @!p0 s5, $0x0  }
0x1f: {  	s9 =	smul.u32 $0xF7A, s1;
	s8 =	simm.s32 @!p0 $0x1BF5;
	p2 =	por !p2, p0  }
0x20: {  	[sflag:s8] =	ssyncset.s32 @!p0 $0xFFFFF086;
	s6 =	sadd.s32 @!p0 s3, s7;
	s7 =	simm.s32 @!p0 $0x108  }
0x21: {  	s3 =	sadd.s32 s3, s9;
	s6 =	sadd.s32 @!p0 $0x88, s6;
	s7 =	simm.s32 @p2 $0x1082  }
0x22: {  	[simem:s7], [sflag:s8] =	dma.local @!p0 [hbm:s6], $0xF7A  }
0x23: {  	s9 =	sor.u32 $0xD0000000, s2;
	s6 =	simm.s32 $0x108;
	_ =	swait.ge @!p0 [sflag:s8], $0x0  }
0x24: {  	s3 =	sadd.s32 $0x88, s3;
	s6 =	simm.s32 @!p1 $0x1082;
	[sflag:s4] =	ssyncset.s32 $0xFFFFF086  }
0x25: {  	[simem:s6], [sflag:s4] =	dma.local [hbm:s3], $0xF7A  }
0x26: {  	[smem:$0x3F9B] =	sst s1;
	(tag) =	ssettag s2;
	_ =	strace s9  }
0x27: {  	s1 =	sld [smem:$0x3FAB]  }
0x28: {  	s2 =	sld [smem:$0x3FAC]  }
0x29: {  	s4 =	sld [smem:$0x3FAE]  }
0x2a: {  	p0 =	seq.s32 s5, $0x0;
	s5 =	sld [smem:$0x3FAF]  }
0x2b: {  	s6 =	sld [smem:$0x3FB0]  }
0x2c: {  	s7 =	sld [smem:$0x3FB1]  }
0x2d: {  	s3 =	simm.s32 $0x108;
	s8 =	sld [smem:$0x3FB2]  }
0x2e: {  	s3 =	simm.s32 @!p0 $0x1082;
	s9 =	sld [smem:$0x3FB3]  }
0x2f: {  	lr =	sadd.s32 s0, s3;
	s0 =	sld [smem:$0x3FAA]  }
0x30: {  	s3 =	sld [smem:$0x3FAD]  }
0x31: {  	[smem:$0x3FB6] =	sst s10  }
0x32: {  	s10 =	sld [smem:$0x3FB4];
	_ =	sdelay $0x3  }
0x33: {  	p0 =	seq.s32 s10, $0x1;
	s10 =	sld [smem:$0x3FB6];
	_ =	sdelay $0x3  }
0x34: {  	[smem:$0x3FB6] =	sst s10  }
0x35: {  	s10 =	sld [smem:$0x3FB5];
	_ =	sdelay $0x3  }
0x36: {  	p1 =	seq.s32 s10, $0x1;
	s10 =	sld [smem:$0x3FB6];
	_ =	sdelay $0x3  }
0x37: {  	[smem:$0x3FB6] =	sst s10  }
0x38: {  	s10 =	sld [smem:$0x3FB7]  }
0x39: {  	_ = 	snop;
	(pc) =	sbr.ind lr, $3  }
0x3a: {  	_ = 	snop  }
0x3b: {  	_ = 	snop  }
0x3c: {  	p2 =	seq.s32 s10, $0x1;
	s10 =	sld [smem:$0x3FB6]  }
0x3d: {  	_ =	shalt  }
0x3e: {  	_ =	shalt  }
0x3f: {  	_ =	shalt  }
0x40: {  	_ =	shalt  }
0x41: {  	_ =	shalt  }
0x42: {  	_ =	shalt  }
0x43: {  	_ =	shalt  }
0x44: {  	_ =	shalt  }
0x45: {  	_ =	shalt  }
0x46: {  	_ =	shalt  }
0x47: {  	_ =	shalt  }
0x48: {  	_ =	shalt  }
0x49: {  	_ =	shalt  }
0x4a: {  	_ =	shalt  }
0x4b: {  	_ =	shalt  }
0x4c: {  	_ =	shalt  }
0x4d: {  	_ =	shalt  }
0x4e: {  	_ =	shalt  }
0x4f: {  	_ =	shalt  }
0x50: {  	_ =	shalt  }
0x51: {  	_ =	shalt  }
0x52: {  	_ =	shalt  }
0x53: {  	_ =	shalt  }
0x54: {  	_ =	shalt  }
0x55: {  	_ =	shalt  }
0x56: {  	_ =	shalt  }
0x57: {  	_ =	shalt  }
0x58: {  	_ =	shalt  }
0x59: {  	_ =	shalt  }
0x5a: {  	_ =	shalt  }
0x5b: {  	_ =	shalt  }
0x5c: {  	_ =	shalt  }
0x5d: {  	_ =	shalt  }
0x5e: {  	_ =	shalt  }
0x5f: {  	_ =	shalt  }
0x60: {  	_ =	shalt  }
0x61: {  	_ =	shalt  }
0x62: {  	_ =	shalt  }
0x63: {  	_ =	shalt  }
0x64: {  	_ =	shalt  }
0x65: {  	_ =	shalt  }
0x66: {  	_ =	shalt  }
0x67: {  	_ =	shalt  }
0x68: {  	_ =	shalt  }
0x69: {  	_ =	shalt  }
0x6a: {  	_ =	shalt  }
0x6b: {  	_ =	shalt  }
0x6c: {  	_ =	shalt  }
0x6d: {  	_ =	shalt  }
0x6e: {  	_ =	shalt  }
0x6f: {  	_ =	shalt  }
0x70: {  	_ =	shalt  }
0x71: {  	_ =	shalt  }
0x72: {  	_ =	shalt  }
0x73: {  	_ =	shalt  }
0x74: {  	_ =	shalt  }
0x75: {  	_ =	shalt  }
0x76: {  	_ =	shalt  }
0x77: {  	_ =	shalt  }
0x78: {  	_ =	shalt  }
0x79: {  	_ =	shalt  }
0x7a: {  	_ =	shalt  }
0x7b: {  	_ =	shalt  }
0x7c: {  	_ =	shalt  }
0x7d: {  	_ =	shalt  }
0x7e: {  	_ =	shalt  }
0x7f: {  	_ =	shalt  }
0x80: {  	_ =	shalt  }
0x81: {  	_ =	shalt  }
0x82: {  	_ =	shalt  }
0x83: {  	_ =	shalt  }
0x84: {  	_ =	shalt  }
0x85: {  	_ =	shalt  }
0x86: {  	_ =	shalt  }
0x87: {  	_ =	shalt  }
.Lfunc_end0:
.L_simem_size_0:
called_computation.1_lowered:
.L_overlay_start_0:
0x88: {  	s2 =	sld [smem:$0x3FD9]  }
0x89: {  	s3 =	sld [smem:$0x3FFE];
	_ =	sdelay $0x1  }
0x8a: {  	s1 =	srdreg.scid  }
0x8b: {  	s0 =	sand.u32 $0x1, s1  }
0x8c: {  	s17 =	sshll.u32 s0, $0xA;
	s2 =	sadd.s32 s3, s2  }
0x8d: {  	s2 =	sadd.s32 s2, s17  }
0x8e: {  	[smem:$0x3FC2] =	sst s2  }
0x8f: {  	_ = 	snop  }
0x90: {  	s2 =	sld [smem:$0x3FD0];
	(tm) =	ssettm $0x1  }
0x91: {  	s18 =	sld [smem:$0x3FFB];
	_ =	sdelay $0x3  }
0x92: {  	_ =	strace s18  }
0x93: {  	s3 =	sld [smem:$0x3FFC];
	_ =	sdelay $0x3  }
0x94: {  	_ =	strace s3  }
0x95: {  	s3 =	sld [smem:$0x3FFD];
	_ =	sdelay $0x3  }
0x96: {  	_ =	strace s3  }
0x97: {  	_ =	strace $0x8FFFFFFF  }
0x98: {  	s19 =	sld [smem:$0x3FDB];
	_ =	sdelay $0x1  }
0x99: {  	s4 =	simm.s32 $_scs_section_size  }
0x9a: {  	s5 =	simm.s32 $_size__tile_overlayer_lowered;
	s6 =	simm.s32 $_tile_overlayer_lowered  }
0x9b: {  	s22 =	simm.s32 $0x1BFF;
	s21 =	sshll.u32 s6, $0x1;
	s3 =	sadd.s32 s4, s19  }
0x9c: {  	s7 =	simm.s32 $0x0;
	s20 =	sshll.u32 s5, $0x1;
	s5 =	sadd.s32 s21, s3  }
0x9d: {  	[timem:s7], [sflag:s22] =	dma.local [hbm:s5], s20  }
0x9e: {  	_ =	swait.ge [sflag:s22], s20  }
0x9f: {  	s4 =	ssub.s32 $0x0, s20;
	[sflag:s22] =	ssyncset.done $0x0  }
0xa0: {  	[sflag:s22] =	ssyncadd.s32 s4;
	_ =	sdelay $0x1  }
0xa1: {  	s23 =	simm.s32 $0x1B8B  }
0xa2: {  	_ =	swait.ge [sflag:s23], $0x1  }
0xa3: {  	[sflag:s23] =	ssyncset.done $0x0  }
0xa4: {  	s25 =	simm.s32 $0x1B8E;
	s24 =	sld [smem:$0x3FFE];
	[sflag:s23] =	ssyncadd.s32 $0xFFFFFFFF  }
0xa5: {  	s26 =	simm.s32 $execute0_lowered;
	[smem:$0x3FD2] =	sst s25  }
0xa6: {  	s5 =	sshll.u32 s26, $0x1;
	_ =	strace $0x80000046;
	[dreg:$0x1] =	wrdreg $0xFFFFFFFF  }
0xa7: {  	s28 =	simm.s32 $_size_execute0_lowered;
	s3 =	sadd.s32 s3, s5;
	[dreg:$0x0] =	wrdreg $0x0  }
0xa8: {  	s5 =	sshll.u32 s28, $0x1;
	[dreg:$0x2] =	wrdreg s3  }
0xa9: {  	[dreg:$0x3] =	wrdreg s5  }
0xaa: {  	[dreg:$0x4] =	wrdreg $0xC0  }
0xab: {  	_ =	task [dreg:s7], $0x5FFFF  }
0xac: {  	[dreg:$0x1] =	wrdreg $0xFFFFFFFF  }
0xad: {  	[dreg:$0x0] =	wrdreg $0x60  }
0xae: {  	[dreg:$0x2] =	wrdreg s2  }
0xaf: {  	[dreg:$0x3] =	wrdreg s24  }
0xb0: {  	[dreg:$0x4] =	wrdreg $0x68000  }
0xb1: {  	[dreg:$0x5] =	wrdreg $0x9  }
0xb2: {  	_ =	task.clear_ibuf [dreg:s7], $0x6FFFF;
	_ =	strace $0x90000046  }
0xb3: {  	s29 =	simm.s32 $0x9;
	_ =	strace $0x80000048  }
0xb4: {  	_ =	swait.ge [sflag:s29], $0x1  }
0xb5: {  	[sflag:s29] =	ssyncadd.s32 $0xFFFFFFFF  }
0xb6: {  	_ =	strace $0x90000048  }
0xb7: {  	_ =	sfence  }
0xb8: {  	s30 =	sld [smem:$0x0];
	_ =	sdelay $0x2  }
0xb9: {  	s31 =	sshll.u32 s1, $0xD;
	s1 =	sshrl.u32 s1, $0x2  }
0xba: {  	s3 =	sand.u32 $0x4000, s31;
	s1 =	sadd.s32 s1, s30  }
0xbb: {  	s0 =	sor.u32 s3, s0;
	s1 =	sshll.u32 s1, $0x11  }
0xbc: {  	s0 =	sor.u32 s1, s0  }
0xbd: {  	s0 =	sadd.s32 $0x8F2B, s0  }
0xbe: {  	[sflag:s0] =	ssyncadd.remote.s32 $0x1  }
0xbf: {  	_ =	sfence.sel $0xFFFF  }
0xc0: {  	[dreg:$0x0] =	wrdreg $0xFFFFFFFF;
	(pc) =	sbr.abs _section_cstart, $3  }
0xc1: {  	[dreg:$0x1] =	wrdreg $0xFFFFFFFF  }
0xc2: {  	_ =	task.clear_ibuf [dreg:s7], $0x2FFFF;
	_ =	strace $0x9FFFFFFF  }
0xc3: {  	(tm) =	ssettm $0x7FFFFFFF  }
tec
execute0_lowered:
.L_overlay_start_1:
0x0: {  	(tag) =	ssettag $0x1  }
0x1: {  	s5 =	rddreg [dreg:$0x0]  }
0x2: {  	s6 =	rddreg [dreg:$0x1]  }
0x3: {  	s1 =	srdreg.scid;
	s0 =	stileid.u32  }
0x4: {  	s2 =	rddreg [dreg:$0x2];
	s3 =	simm.s32 $0x0;
	s14 =	simm.s32 $0x0  }
0x5: {  	s7 =	sand.u32 $0x1, s1;
	s8 =	smul.u32 $0x14000, s0;
	s1 =	rddreg [dreg:$0x3]  }
0x6: {  	[smem:$0x7FF] =	sst s3;
	s11 =	smul.u32 $0x50000, s0;
	s31 =	sshll.u32 s0, $0x6  }
0x7: {  	s4 =	smul.u32 $0x140000, s7;
	s10 =	sshll.u32 s7, $0x4;
	s7 =	ssub.s32 $0x2, s7  }
0x8: {  	_ =	strace $0x80000047;
	s10 =	sor.u32 s0, s10;
	s28 =	sshrl.u32 s7, $0x1  }
0x9: {  	s29 =	sshrl.u32 s11, $0x2;
	s30 =	sshrl.u32 s8, $0x3;
	s11 =	sor.u32 $0x1C01, s31  }
0xa: {  	s9 =	sadd.s32 s8, s4;
	s4 =	sadd.s32 $0x2800, s6;
	s10 =	smul.u32 $0x500, s10  }
0xb: {  	s12 =	ssub.s32 s7, s28;
	s13 =	sadd.s32 s29, s2;
	s9 =	sshrl.u32 s9, $0x3  }
0xc: {  	s8 =	smax.u32 s12, $0x1;
	s12 =	sshrl.u32 s13, $0x3;
	s13 =	simm.s32 $0x80  }
0xd: {  	v0 =	vlaneseq.u32;
	s9 =	sadd.s32 s9, s6;
	s5 =	sadd.s32 s5, s10;
	s6 =	sadd.s32 s4, s30  }
0xe: {  	vm0 =	vmmov $0xffff;
	v0 =	vor.u32 $0x27F0, v0;
	s10 =	simm.s32 $0x2800;
	s7 =	sadd.s32 $0x2A800, s9;
	s9 =	simm.s32 $0x1  }
.LBB2_1:
0xf: {  	[tilespmem:s3], [sflag:$0x1] =	stream.linear.gather [hbm4b:s5+s3], $0x2800, $0x38;
	[tilespmem:$0x7C00] =	vst v63  }
0x10: {  	_ =	swait.ge [sflag:s9], $0x2800  }
0x11: {  	[sflag:s9] =	ssyncset.done $0x0  }
0x12: {  	[sflag:s9] =	ssyncadd.s32 $0xFFFFD800  }
0x13: {  	[tilespmem:s10], [sflag:$0x1] =	stream.linear.gather [hbm4b:s4+s3], $0x4000, $0x38;
	[tilespmem:$0x7C00] =	vst v63  }
0x14: {  	_ =	swait.ge [sflag:s9], $0x4000  }
0x15: {  	[sflag:s9] =	ssyncset.done $0x0  }
0x16: {  	[sflag:s9] =	ssyncadd.s32 $0xFFFFC000  }
0x17: {  	[spmem:s12], [sflag:s11] =	dma.local [hbm:s6], $0x2800  }
0x18: {  	_ =	swait.ge [sflag:s9], $0x2800  }
0x19: {  	[sflag:s9] =	ssyncset.done $0x0  }
0x1a: {  	[sflag:s9] =	ssyncadd.s32 $0xFFFFD800  }
0x1b: {  	s15 =	simm.s32 $0x0;
	[bflag:$0x0] =	sbarrier.arrive $0xFFFF  }
0x1c: {  	[spmem:s2] =	stream.indirect.scatter.add.f32 [tilespmem:s10], [sflag:$0x1], $0x8, s15, s13, $0xb8;
	[tilespmem:$0x7C00] =	vst v63  }
0x1d: {  	_ =	swait.ge [sflag:s9], $0x400  }
0x1e: {  	s15 =	simm.s32 $0x200;
	[sflag:s9] =	ssyncset.done $0x0  }
.LBB2_2:
0x1f: {  	s16 =	sshra.s32 s15, $0x2;
	[sflag:s9] =	ssyncadd.s32 $0xFFFFFC00;
	p0 =	sne.s32 s15, $0x9E00  }
0x20: {  	[spmem:s2] =	stream.indirect.scatter.add.f32 [tilespmem:s10], [sflag:$0x1], $0x8, s16, s13, $0xb8;
	[tilespmem:$0x7C00] =	vst v63  }
.Ltmp0:
0x21: {  	_ = 	snop;
	(pc) =	sbr.rel @p0 .LBB2_2-.Ltmp0, $4  }
0x22: {  	_ = 	snop  }
0x23: {  	s15 =	sadd.s32 $0x200, s15  }
0x24: {  	_ =	swait.ge [sflag:s9], $0x400  }
0x25: {  	[sflag:s9] =	ssyncset.done $0x0  }
0x26: {  	_ =	sdelay $0x2  }
0x27: {  	[sflag:s9] =	ssyncadd.s32 $0xFFFFFC00  }
0x28: {  	[spmem:s2] =	stream.indirect_vreg.scatter.add.f32 [tilespmem:s10], [sflag:$0x1], $0x8, v0, vm0, $0xb8;
	[tilespmem:$0x7C00] =	vst v63  }
0x29: {  	_ =	swait.ge [sflag:s9], $0x80  }
0x2a: {  	[sflag:s9] =	ssyncset.done $0x0  }
0x2b: {  	[sflag:s9] =	ssyncadd.s32 $0xFFFFFF80  }
0x2c: {  	[bflag:$0x0] =	sbarrier.arrive $0xFFFF  }
0x2d: {  	s14 =	sadd.s32 $0x1, s14;
	_ =	sdelay $0x7ff  }
0x2e: {  	p0 =	sne.s32 s14, s8;
	_ =	sdelay $0x7ff  }
.Ltmp1:
0x2f: {  	_ =	sdelay $0x5ad;
	(pc) =	sbr.rel @p0 .LBB2_1-.Ltmp1, $4  }
0x30: {  	[hbm:s7], [sflag:s11] =	dma.local [spmem:s12], $0x2800  }
0x31: {  	_ =	swait.ge [sflag:s9], $0x2800  }
0x32: {  	[sflag:s9] =	ssyncset.done $0x0  }
0x33: {  	[sflag:s9] =	ssyncadd.s32 $0xFFFFD800  }
0x34: {  	_ =	sfence.sel $0x180000  }
0x35: {  	[bflag:$0x0] =	sbarrier.arrive $0xFFFF  }
0x36: {  	p0 =	sne.s32 s0, $0x0;
	_ =	strace $0x90000047  }
0x37: {  	s0 =	sadd.s32 @!p0 $0x100000, s1;
	[bflag:$0x2] =	sbarrier.arrive $0xFFFF  }
0x38: {  	[sflag:s0] =	ssyncadd.tile.s32 @!p0 $0x1;
	_ =	shalt  }
.Lfunc_end2:
_tile_overlayer_lowered:
.L_overlay_start_2:
0x39: {  	(tag) =	ssettag $0x2  }
0x3a: {  	s0 =	rddreg [dreg:$0x0];
	s2 =	stileid.u32  }
0x3b: {  	s1 =	rddreg [dreg:$0x1];
	p0 =	sne.s32 s2, $0x0  }
0x3c: {  	s3 =	rddreg [dreg:$0x2];
	[bflag:$0x3] =	sbarrier.arrive $0xFFFF;
	s2 =	simm.s32 @!p0 $0x1C01  }
0x3d: {  	[timem:s3], [sflag:s2] =	dma.local @!p0 [hbm:s0], s1  }
0x3e: {  	s0 =	simm.s32 @!p0 $0x1  }
0x3f: {  	_ =	swait.ge @!p0 [sflag:s0], s1  }
0x40: {  	s1 =	ssub.s32 @!p0 $0x0, s1;
	[sflag:s0] =	ssyncset.done @!p0 $0x0  }
0x41: {  	[sflag:s0] =	ssyncadd.s32 @!p0 s1  }
0x42: {  	[bflag:$0x3] =	sbarrier.arrive $0xFFFF  }
0x43: {  	_ =	shalt  }

</sc_bundles>
